<compile_context>
chip_gen: v7x
topology: tpu7x:2x2x1
jax: 0.10.2.dev20260603
libtpu: 0.0.44.dev20260713+nightly
codegen_flags: <defaults>
</compile_context>

<pallas_src>
import dataclasses
import functools

import jax
import jax.numpy as jnp
from jax import lax
from jax.experimental import pallas as pl
from jax.experimental.pallas import tpu as pltpu
from jax.experimental.pallas import tpu_sc as plsc

N = 10000
K = 32
F = 128
NUP = 2500

NPAD = 10240
EB = 128
NB = NPAD * K // EB
NW = 32
NS = 16
BPW = NB // NW
NUPPAD = 2560
SPW = NUPPAD // NW
L = 16
DUMMY = NUPPAD
ACCR = 2688
RA = ACCR // NS
RO = NUPPAD // NS


@functools.cache
def _mesh():
    return plsc.VectorSubcoreMesh(core_axis_name="c", subcore_axis_name="s")


def _sc_params():
    cp = pltpu.CompilerParams()
    if "needs_layout_passes" in pltpu.CompilerParams.__dataclass_fields__:
        cp = dataclasses.replace(cp, needs_layout_passes=False)
    return cp



@functools.cache
def _scatter_kernel():
    return pl.kernel(
        _scatter_body,
        out_type=[
            jax.ShapeDtypeStruct((NUPPAD, F), jnp.float32),
            jax.ShapeDtypeStruct((NUPPAD, F), jnp.float32),
            jax.ShapeDtypeStruct((2, NS, ACCR), jnp.float32),
            jax.ShapeDtypeStruct((NUPPAD,), jnp.int32),
        ],
        mesh=_mesh(),
        scratch_types=[
            pltpu.VMEM_SHARED((ACCR, F), jnp.float32),
            pltpu.VMEM((NPAD,), jnp.int32),
            pltpu.VMEM((NUPPAD,), jnp.int32),
            pltpu.VMEM((ACCR,), jnp.float32),
            pltpu.VMEM((BPW, EB), jnp.int32),
            pltpu.VMEM((BPW * EB,), jnp.int32),
            pltpu.VMEM((BPW * EB,), jnp.float32),
            pltpu.VMEM((2, EB, F), jnp.float32),
            pltpu.VMEM((BPW, EB), jnp.int32),
            pltpu.VMEM((BPW, EB), jnp.float32),
            pltpu.VMEM((SPW,), jnp.int32),
            pltpu.SemaphoreType.DMA((2,)),
        ],
        compiler_params=_sc_params(),
    )


def _scatter_body(feat_hbm, nidx_hbm, w_hbm, sel_hbm, zeros_hbm,
                  p0_hbm, p1_hbm, wsparts_hbm, smap_hbm,
                  acc, remap, selbuf, wsacc, slot2d, src1d, w1d, fbuf,
                  islab, wslab, sbuf, gsem):
    c = lax.axis_index("c")
    s = lax.axis_index("s")
    wid = s * 2 + c
    base = wid * BPW
    jbase = wid * SPW
    iot = lax.iota(jnp.int32, L)

    pltpu.sync_copy(nidx_hbm.at[pl.ds(base, BPW)], islab)
    pltpu.sync_copy(w_hbm.at[pl.ds(base, BPW)], wslab)
    pltpu.sync_copy(sel_hbm, selbuf)
    pltpu.sync_copy(zeros_hbm, acc.at[pl.ds(s * RA, RA)])

    @pl.loop(0, NPAD // L)
    def _(v):
        remap[pl.ds(v * L, L)] = jnp.full((L,), DUMMY, jnp.int32)

    @pl.loop(0, NUPPAD // L)
    def _(g):
        selv = selbuf[pl.ds(g * L, L)]
        plsc.store_scatter(remap, [selv], g * L + iot)

    @pl.loop(0, ACCR // L)
    def _(v):
        wsacc[pl.ds(v * L, L)] = jnp.zeros((L,), jnp.float32)

    @pl.loop(0, BPW)
    def _(r):
        for v in range(EB // L):
            slot2d[r, pl.ds(v * L, L)] = jnp.full((L,), DUMMY, jnp.int32)
            src1d[pl.ds(r * EB + v * L, L)] = jnp.zeros((L,), jnp.int32)

    @pl.loop(0, SPW // L)
    def _(g):
        selv = selbuf[pl.ds(jbase + g * L, L)]
        sbuf[pl.ds(g * L, L)] = plsc.load_gather(remap, [selv])

    pltpu.sync_copy(sbuf, smap_hbm.at[pl.ds(jbase, SPW)])
    plsc.subcore_barrier()

    def _batch(j, cur):
        for g in range(EB // L):
            dst = islab[j, pl.ds(g * L, L)]
            wv = wslab[j, pl.ds(g * L, L)]
            slotv = plsc.load_gather(remap, [dst])
            plsc.addupdate_scatter(wsacc, [slotv], wv)
            mask = slotv < DUMMY
            pos = cur + plsc.cumsum(mask.astype(jnp.int32)) - 1
            rowv = jax.lax.shift_right_logical(pos, 7)
            colv = pos & (EB - 1)
            srcv = jax.lax.shift_right_logical(
                (base + j) * EB + g * L + iot, 5)
            plsc.store_scatter(slot2d, [rowv, colv], slotv, mask=mask)
            plsc.store_scatter(src1d, [pos], srcv, mask=mask)
            plsc.store_scatter(w1d, [pos], wv, mask=mask)
            cur = cur + plsc.all_reduce_population_count(mask)
        return cur

    cur = lax.fori_loop(0, BPW, _batch, jnp.zeros((L,), jnp.int32))
    ncomp = lax.reduce_max(cur, axes=(0,))
    nch = jax.lax.shift_right_logical(ncomp + (EB - 1), 7)

    def _g_dma(ch, b):
        return pltpu.make_async_copy(
            feat_hbm.at[src1d.at[pl.ds(ch * EB, EB)]], fbuf.at[b],
            gsem.at[b])

    @pl.when(0 < nch)
    def _():
        _g_dma(0, 0).start()

    @pl.when(1 < nch)
    def _():
        _g_dma(1, 1).start()

    @pl.loop(0, BPW, step=2)
    def _(c2):
        for b in range(2):
            ch = c2 + b

            @pl.when(ch < nch)
            def _():
                _g_dma(ch, b).wait()

                @pl.loop(0, EB)
                def _(e):
                    wspl = plsc.load_gather(
                        w1d, [jnp.full((L,), ch * EB + e, jnp.int32)])
                    for v in range(F // L):
                        fbuf[b, e, pl.ds(v * L, L)] = (
                            fbuf[b, e, pl.ds(v * L, L)] * wspl)

                pltpu.sync_copy(fbuf.at[b], acc.at[slot2d.at[ch]], add=True)

                @pl.when(ch + 2 < nch)
                def _():
                    _g_dma(ch + 2, b).start()

    plsc.subcore_barrier()

    @pl.when(c == 0)
    def _():
        pltpu.sync_copy(acc.at[pl.ds(s * RO, RO)],
                        p0_hbm.at[pl.ds(s * RO, RO)])

    @pl.when(c == 1)
    def _():
        pltpu.sync_copy(acc.at[pl.ds(s * RO, RO)],
                        p1_hbm.at[pl.ds(s * RO, RO)])

    pltpu.sync_copy(wsacc, wsparts_hbm.at[c, s])



@functools.cache
def _gather_kernel():
    return pl.kernel(
        _gather_body,
        out_type=[
            jax.ShapeDtypeStruct((NUPPAD, F), jnp.float32),
            jax.ShapeDtypeStruct((NUPPAD, F), jnp.float32),
            jax.ShapeDtypeStruct((NUPPAD,), jnp.float32),
        ],
        mesh=_mesh(),
        scratch_types=[
            pltpu.VMEM((SPW,), jnp.int32),
            pltpu.VMEM((SPW, F), jnp.float32),
            pltpu.VMEM((SPW, F), jnp.float32),
            pltpu.VMEM((2, NS, ACCR), jnp.float32),
            pltpu.VMEM((ACCR,), jnp.float32),
            pltpu.VMEM((SPW,), jnp.float32),
        ],
        compiler_params=_sc_params(),
    )


def _gather_body(p0_hbm, p1_hbm, wsparts_hbm, smap_hbm,
                 g0_hbm, g1_hbm, wsel_hbm, idxb, b0, b1, wall, wt, wsb):
    c = lax.axis_index("c")
    s = lax.axis_index("s")
    base = (s * 2 + c) * SPW
    pltpu.sync_copy(smap_hbm.at[pl.ds(base, SPW)], idxb)
    pltpu.sync_copy(p0_hbm.at[idxb], b0)
    pltpu.sync_copy(p1_hbm.at[idxb], b1)
    pltpu.sync_copy(wsparts_hbm, wall)

    @pl.loop(0, ACCR // L)
    def _(v):
        tot = wall[0, 0, pl.ds(v * L, L)]
        for c2 in range(2):
            for r in range(NS):
                if c2 or r:
                    tot = tot + wall[c2, r, pl.ds(v * L, L)]
        wt[pl.ds(v * L, L)] = tot

    @pl.loop(0, SPW // L)
    def _(g):
        sv = idxb[pl.ds(g * L, L)]
        wsb[pl.ds(g * L, L)] = plsc.load_gather(wt, [sv])

    pltpu.sync_copy(b0, g0_hbm.at[pl.ds(base, SPW)])
    pltpu.sync_copy(b1, g1_hbm.at[pl.ds(base, SPW)])
    pltpu.sync_copy(wsb, wsel_hbm.at[pl.ds(base, SPW)])



def _norm_body(a_ref, b_ref, w_ref, o_ref):
    h = a_ref[...] + b_ref[...]
    wsum = jnp.maximum(w_ref[...], 0.0)
    wsum = jnp.where(wsum > 0.0, wsum, 0.001)
    o_ref[...] = h / wsum


def _normalize(g0, g1, wsel):
    return pl.pallas_call(
        _norm_body,
        out_shape=jax.ShapeDtypeStruct((NUPPAD, F), jnp.float32),
    )(g0, g1, wsel)



def kernel(features, nidx_down, weights_down, sel_idx_up):
    f_pad = jnp.pad(features, ((0, NPAD - N), (0, 0)))
    w_pad = jnp.pad(weights_down, ((0, NPAD - N), (0, 0)))
    n_pad = jnp.pad(nidx_down, ((0, NPAD - N), (0, 0)))
    nidx2d = n_pad.reshape(NB, EB)
    w2d = w_pad.reshape(NB, EB)
    selpad = jnp.pad(sel_idx_up[:, 0], (0, NUPPAD - NUP))
    zeros = jnp.zeros((RA, F), jnp.float32)

    p0, p1, wsparts, smap = _scatter_kernel()(f_pad, nidx2d, w2d,
                                              selpad, zeros)
    g0, g1, wsel = _gather_kernel()(p0, p1, wsparts, smap)
    out = _normalize(g0, g1, wsel.reshape(NUPPAD, 1))
    return out[:NUP]

# --- scband reference (transcript-rebuilt; emitter-appended) ---
"""Pipeline reference for scband-push-up-67181878444254 (READ-ONLY COPY).

The authoritative reference and input builder live on the scoring server;
editing this copy changes nothing except your own understanding.
"""

import jax, jax.numpy as jnp
import numpy as np


def push_sum(nweights, feat, nidx):
    # out[nidx[i,k]] += nweights[i,k] * feat[i]; negative indices are ignored
    N, F = feat.shape
    flat_idx = nidx.reshape(-1)
    valid = flat_idx >= 0
    contrib = (nweights[:, :, None] * feat[:, None, :]).reshape(-1, F)
    contrib = jnp.where(valid[:, None], contrib, 0.0)
    safe_idx = jnp.where(valid, flat_idx, 0)
    out = jnp.zeros((N, F), dtype=feat.dtype).at[safe_idx].add(contrib)
    return out


def setup_inputs(seed: int = 0) -> dict:
    key = jax.random.key(seed)
    k1, k2, k3, k4 = jax.random.split(key, 4)
    N, K, F, NUP = 10000, 32, 128, 2500
    features = jax.random.normal(k1, (N, F), dtype=jnp.float32)
    nidx_down = jax.random.randint(k2, (N, K), 0, N, dtype=jnp.int32)
    weights_down = jax.random.uniform(k3, (N, K), dtype=jnp.float32)
    sel_idx_up = jax.random.randint(k4, (NUP, 1), 0, N, dtype=jnp.int32)
    return {"features": features, "nidx_down": nidx_down,
            "weights_down": weights_down, "sel_idx_up": sel_idx_up}


def reference(features, nidx_down, weights_down, sel_idx_up):
    # PushUp(mode='mean', add_self=False), called with weight=None, nweights=None
    assert features.ndim == 2
    up_f = features
    # mode == 'mean' and weight is None -> weight = ones
    weight = jnp.ones_like(up_f[:, 0:1])
    up_f = jnp.concatenate([weight, up_f], axis=-1)  # [N, F+1]
    # nweights is None -> use transition['weights_down']
    nweights = weights_down
    # add_self == False: no self-index substitution
    up_f = push_sum(nweights, up_f, nidx_down)  # [N, F+1]
    # tf.gather_nd(up_f, sel_idx_up) with sel_idx_up shape [NUP, 1]
    up_f = up_f[sel_idx_up[:, 0]]  # [NUP, F+1]
    # mode == 'mean'
    wsum = jax.nn.relu(up_f[:, 0:1])
    wsum = jnp.where(wsum > 0.0, wsum, 0.001)
    # tf.math.divide_no_nan
    up_f = jnp.where(wsum != 0.0, up_f[:, 1:] / wsum, 0.0)
    up_f = up_f.reshape(-1, features.shape[1])
    return up_f

if __name__ == "__main__":
    import jax
    _d = setup_inputs()
    print(jax.jit(kernel)(*tuple(_d.values())))

</pallas_src>

<mosaic_0001>
#map = affine_map<(d0, d1) -> (0, 0)>
#map1 = affine_map<(d0, d1) -> (0, 0, 0)>
#map2 = affine_map<(d0, d1) -> (0)>
module attributes {stable_mosaic.version = 14 : i64} {
  func.func @_gather_body(%arg0: i32, %arg1: i32, %arg2: memref<2560x128xf32, #tpu.memory_space<hbm>>, %arg3: memref<2560x128xf32, #tpu.memory_space<hbm>>, %arg4: memref<2x16x2688xf32, #tpu.memory_space<hbm>>, %arg5: memref<2560xi32, #tpu.memory_space<hbm>>, %arg6: memref<2560x128xf32, #tpu.memory_space<hbm>>, %arg7: memref<2560x128xf32, #tpu.memory_space<hbm>>, %arg8: memref<2560xf32, #tpu.memory_space<hbm>>, %arg9: memref<80xi32, #tpu.memory_space<vmem>>, %arg10: memref<80x128xf32, #tpu.memory_space<vmem>>, %arg11: memref<80x128xf32, #tpu.memory_space<vmem>>, %arg12: memref<2x16x2688xf32, #tpu.memory_space<vmem>>, %arg13: memref<2688xf32, #tpu.memory_space<vmem>>, %arg14: memref<80xf32, #tpu.memory_space<vmem>>) attributes {dimension_semantics = [#tpu.dimension_semantics<core_parallel>, #tpu.dimension_semantics<subcore_parallel>], iteration_bounds = array<i64: 2, 16>, scalar_prefetch = 0 : i64, scratch_operands = 6 : i64, tpu.core_type = #tpu.core_type<sc_vector_subcore>, window_params = [{transform_indices = #map}, {transform_indices = #map}, {transform_indices = #map1}, {transform_indices = #map2}, {transform_indices = #map}, {transform_indices = #map}, {transform_indices = #map2}]} {
    %mul3A = arith.constant 2 : i32
    %mul3A_0 = arith.muli %arg1, %mul3A : i32
    %add3A = arith.addi %mul3A_0, %arg0 : i32
    %mul3A_1 = arith.constant 80 : i32
    %mul3A_2 = arith.muli %add3A, %mul3A_1 : i32
    "tpu.region"() ({
      %run_scoped3A = tpu.sem_alloc : memref<!tpu.dma_semaphore, #tpu.memory_space<semaphore_mem>>
      %dma_start3A = tpu.memref_slice %arg5[%mul3A_2] : memref<2560xi32, #tpu.memory_space<hbm>> -> memref<80xi32, #tpu.memory_space<hbm>>
      %dma_start3A_12 = tpu.memref_slice %arg5[%mul3A_2] : memref<2560xi32, #tpu.memory_space<hbm>> -> memref<80xi32, #tpu.memory_space<hbm>>
      tpu.enqueue_dma source(%dma_start3A_12 : memref<80xi32, #tpu.memory_space<hbm>>) target(%arg9 : memref<80xi32, #tpu.memory_space<vmem>>) target_semaphore(%run_scoped3A : memref<!tpu.dma_semaphore, #tpu.memory_space<semaphore_mem>>)
      %dma_wait3A = tpu.memref_slice %arg5[%mul3A_2] : memref<2560xi32, #tpu.memory_space<hbm>> -> memref<80xi32, #tpu.memory_space<hbm>>
      %dma_wait3A_13 = tpu.memref_slice %arg5[%mul3A_2] : memref<2560xi32, #tpu.memory_space<hbm>> -> memref<80xi32, #tpu.memory_space<hbm>>
      tpu.wait_dma2 semaphore(%run_scoped3A : memref<!tpu.dma_semaphore, #tpu.memory_space<semaphore_mem>>) src(%dma_wait3A_13 : memref<80xi32, #tpu.memory_space<hbm>>) dst(%arg9 : memref<80xi32, #tpu.memory_space<vmem>>)
      tpu.yield
    }) : () -> ()
    "tpu.region"() ({
      %run_scoped3A = tpu.sem_alloc : memref<!tpu.dma_semaphore, #tpu.memory_space<semaphore_mem>>
      %dma_start3A = arith.constant 0 : i32
      %dma_start3A_12 = arith.constant 0 : i32
      %dma_start3A_13 = tpu.memref_slice %arg2[%dma_start3A, %dma_start3A_12] : memref<2560x128xf32, #tpu.memory_space<hbm>> -> memref<2560x128xf32, #tpu.memory_space<hbm>>
      tpu.enqueue_indirect_dma source(%dma_start3A_13 : memref<2560x128xf32, #tpu.memory_space<hbm>>) target(%arg10 : memref<80x128xf32, #tpu.memory_space<vmem>>) offsets(%arg9 : memref<80xi32, #tpu.memory_space<vmem>>) semaphore(%run_scoped3A : memref<!tpu.dma_semaphore, #tpu.memory_space<semaphore_mem>>)
      %dma_wait3A = arith.constant 0 : i32
      %dma_wait3A_14 = arith.constant 0 : i32
      %dma_wait3A_15 = tpu.memref_slice %arg2[%dma_wait3A, %dma_wait3A_14] : memref<2560x128xf32, #tpu.memory_space<hbm>> -> memref<2560x128xf32, #tpu.memory_space<hbm>>
      tpu.wait_indirect_dma semaphore(%run_scoped3A : memref<!tpu.dma_semaphore, #tpu.memory_space<semaphore_mem>>) src(%dma_wait3A_15 : memref<2560x128xf32, #tpu.memory_space<hbm>>) dst(%arg10 : memref<80x128xf32, #tpu.memory_space<vmem>>)
      tpu.yield
    }) : () -> ()
    "tpu.region"() ({
      %run_scoped3A = tpu.sem_alloc : memref<!tpu.dma_semaphore, #tpu.memory_space<semaphore_mem>>
      %dma_start3A = arith.constant 0 : i32
      %dma_start3A_12 = arith.constant 0 : i32
      %dma_start3A_13 = tpu.memref_slice %arg3[%dma_start3A, %dma_start3A_12] : memref<2560x128xf32, #tpu.memory_space<hbm>> -> memref<2560x128xf32, #tpu.memory_space<hbm>>
      tpu.enqueue_indirect_dma source(%dma_start3A_13 : memref<2560x128xf32, #tpu.memory_space<hbm>>) target(%arg11 : memref<80x128xf32, #tpu.memory_space<vmem>>) offsets(%arg9 : memref<80xi32, #tpu.memory_space<vmem>>) semaphore(%run_scoped3A : memref<!tpu.dma_semaphore, #tpu.memory_space<semaphore_mem>>)
      %dma_wait3A = arith.constant 0 : i32
      %dma_wait3A_14 = arith.constant 0 : i32
      %dma_wait3A_15 = tpu.memref_slice %arg3[%dma_wait3A, %dma_wait3A_14] : memref<2560x128xf32, #tpu.memory_space<hbm>> -> memref<2560x128xf32, #tpu.memory_space<hbm>>
      tpu.wait_indirect_dma semaphore(%run_scoped3A : memref<!tpu.dma_semaphore, #tpu.memory_space<semaphore_mem>>) src(%dma_wait3A_15 : memref<2560x128xf32, #tpu.memory_space<hbm>>) dst(%arg11 : memref<80x128xf32, #tpu.memory_space<vmem>>)
      tpu.yield
    }) : () -> ()
    "tpu.region"() ({
      %run_scoped3A = tpu.sem_alloc : memref<!tpu.dma_semaphore, #tpu.memory_space<semaphore_mem>>
      tpu.enqueue_dma source(%arg4 : memref<2x16x2688xf32, #tpu.memory_space<hbm>>) target(%arg12 : memref<2x16x2688xf32, #tpu.memory_space<vmem>>) target_semaphore(%run_scoped3A : memref<!tpu.dma_semaphore, #tpu.memory_space<semaphore_mem>>)
      tpu.wait_dma2 semaphore(%run_scoped3A : memref<!tpu.dma_semaphore, #tpu.memory_space<semaphore_mem>>) src(%arg4 : memref<2x16x2688xf32, #tpu.memory_space<hbm>>) dst(%arg12 : memref<2x16x2688xf32, #tpu.memory_space<vmem>>)
      tpu.yield
    }) : () -> ()
    %scan3A = arith.constant 0 : i32
    %scan3A_3 = arith.constant 168 : i32
    %scan3A_4 = arith.addi %scan3A, %scan3A_3 : i32
    %scan3A_5 = arith.constant 1 : i32
    scf.for %scan3A_12 = %scan3A to %scan3A_4 step %scan3A_5  : i32 {
      %mul3A_13 = arith.constant 1 : i32
      %mul3A_14 = arith.muli %scan3A_12, %mul3A_13 : i32
      %add3A_15 = arith.constant 0 : i32
      %add3A_16 = arith.addi %add3A_15, %mul3A_14 : i32
      %mul3A_17 = arith.constant 16 : i32
      %mul3A_18 = arith.muli %add3A_16, %mul3A_17 : i32
      %get3A = arith.constant 0 : i32
      %get3A_19 = arith.constant 0 : i32
      %get3A_20 = arith.index_cast %get3A : i32 to index
      %get3A_21 = arith.index_cast %get3A_19 : i32 to index
      %get3A_22 = arith.index_cast %mul3A_18 : i32 to index
      %get3A_23 = tpu.vector_load %arg12[%get3A_20, %get3A_21, %get3A_22] {strides = array<i32>} : memref<2x16x2688xf32, #tpu.memory_space<vmem>>, vector<16xf32>,
      %mul3A_24 = arith.constant 16 : i32
      %mul3A_25 = arith.muli %add3A_16, %mul3A_24 : i32
      %get3A_26 = arith.constant 0 : i32
      %get3A_27 = arith.constant 1 : i32
      %get3A_28 = arith.index_cast %get3A_26 : i32 to index
      %get3A_29 = arith.index_cast %get3A_27 : i32 to index
      %get3A_30 = arith.index_cast %mul3A_25 : i32 to index
      %get3A_31 = tpu.vector_load %arg12[%get3A_28, %get3A_29, %get3A_30] {strides = array<i32>} : memref<2x16x2688xf32, #tpu.memory_space<vmem>>, vector<16xf32>,
      %add3A_32 = arith.addf %get3A_23, %get3A_31 : vector<16xf32>
      %mul3A_33 = arith.constant 16 : i32
      %mul3A_34 = arith.muli %add3A_16, %mul3A_33 : i32
      %get3A_35 = arith.constant 0 : i32
      %get3A_36 = arith.constant 2 : i32
      %get3A_37 = arith.index_cast %get3A_35 : i32 to index
      %get3A_38 = arith.index_cast %get3A_36 : i32 to index
      %get3A_39 = arith.index_cast %mul3A_34 : i32 to index
      %get3A_40 = tpu.vector_load %arg12[%get3A_37, %get3A_38, %get3A_39] {strides = array<i32>} : memref<2x16x2688xf32, #tpu.memory_space<vmem>>, vector<16xf32>,
      %add3A_41 = arith.addf %add3A_32, %get3A_40 : vector<16xf32>
      %mul3A_42 = arith.constant 16 : i32
      %mul3A_43 = arith.muli %add3A_16, %mul3A_42 : i32
      %get3A_44 = arith.constant 0 : i32
      %get3A_45 = arith.constant 3 : i32
      %get3A_46 = arith.index_cast %get3A_44 : i32 to index
      %get3A_47 = arith.index_cast %get3A_45 : i32 to index
      %get3A_48 = arith.index_cast %mul3A_43 : i32 to index
      %get3A_49 = tpu.vector_load %arg12[%get3A_46, %get3A_47, %get3A_48] {strides = array<i32>} : memref<2x16x2688xf32, #tpu.memory_space<vmem>>, vector<16xf32>,
      %add3A_50 = arith.addf %add3A_41, %get3A_49 : vector<16xf32>
      %mul3A_51 = arith.constant 16 : i32
      %mul3A_52 = arith.muli %add3A_16, %mul3A_51 : i32
      %get3A_53 = arith.constant 0 : i32
      %get3A_54 = arith.constant 4 : i32
      %get3A_55 = arith.index_cast %get3A_53 : i32 to index
      %get3A_56 = arith.index_cast %get3A_54 : i32 to index
      %get3A_57 = arith.index_cast %mul3A_52 : i32 to index
      %get3A_58 = tpu.vector_load %arg12[%get3A_55, %get3A_56, %get3A_57] {strides = array<i32>} : memref<2x16x2688xf32, #tpu.memory_space<vmem>>, vector<16xf32>,
      %add3A_59 = arith.addf %add3A_50, %get3A_58 : vector<16xf32>
      %mul3A_60 = arith.constant 16 : i32
      %mul3A_61 = arith.muli %add3A_16, %mul3A_60 : i32
      %get3A_62 = arith.constant 0 : i32
      %get3A_63 = arith.constant 5 : i32
      %get3A_64 = arith.index_cast %get3A_62 : i32 to index
      %get3A_65 = arith.index_cast %get3A_63 : i32 to index
      %get3A_66 = arith.index_cast %mul3A_61 : i32 to index
      %get3A_67 = tpu.vector_load %arg12[%get3A_64, %get3A_65, %get3A_66] {strides = array<i32>} : memref<2x16x2688xf32, #tpu.memory_space<vmem>>, vector<16xf32>,
      %add3A_68 = arith.addf %add3A_59, %get3A_67 : vector<16xf32>
      %mul3A_69 = arith.constant 16 : i32
      %mul3A_70 = arith.muli %add3A_16, %mul3A_69 : i32
      %get3A_71 = arith.constant 0 : i32
      %get3A_72 = arith.constant 6 : i32
      %get3A_73 = arith.index_cast %get3A_71 : i32 to index
      %get3A_74 = arith.index_cast %get3A_72 : i32 to index
      %get3A_75 = arith.index_cast %mul3A_70 : i32 to index
      %get3A_76 = tpu.vector_load %arg12[%get3A_73, %get3A_74, %get3A_75] {strides = array<i32>} : memref<2x16x2688xf32, #tpu.memory_space<vmem>>, vector<16xf32>,
      %add3A_77 = arith.addf %add3A_68, %get3A_76 : vector<16xf32>
      %mul3A_78 = arith.constant 16 : i32
      %mul3A_79 = arith.muli %add3A_16, %mul3A_78 : i32
      %get3A_80 = arith.constant 0 : i32
      %get3A_81 = arith.constant 7 : i32
      %get3A_82 = arith.index_cast %get3A_80 : i32 to index
      %get3A_83 = arith.index_cast %get3A_81 : i32 to index
      %get3A_84 = arith.index_cast %mul3A_79 : i32 to index
      %get3A_85 = tpu.vector_load %arg12[%get3A_82, %get3A_83, %get3A_84] {strides = array<i32>} : memref<2x16x2688xf32, #tpu.memory_space<vmem>>, vector<16xf32>,
      %add3A_86 = arith.addf %add3A_77, %get3A_85 : vector<16xf32>
      %mul3A_87 = arith.constant 16 : i32
      %mul3A_88 = arith.muli %add3A_16, %mul3A_87 : i32
      %get3A_89 = arith.constant 0 : i32
      %get3A_90 = arith.constant 8 : i32
      %get3A_91 = arith.index_cast %get3A_89 : i32 to index
      %get3A_92 = arith.index_cast %get3A_90 : i32 to index
      %get3A_93 = arith.index_cast %mul3A_88 : i32 to index
      %get3A_94 = tpu.vector_load %arg12[%get3A_91, %get3A_92, %get3A_93] {strides = array<i32>} : memref<2x16x2688xf32, #tpu.memory_space<vmem>>, vector<16xf32>,
      %add3A_95 = arith.addf %add3A_86, %get3A_94 : vector<16xf32>
      %mul3A_96 = arith.constant 16 : i32
      %mul3A_97 = arith.muli %add3A_16, %mul3A_96 : i32
      %get3A_98 = arith.constant 0 : i32
      %get3A_99 = arith.constant 9 : i32
      %get3A_100 = arith.index_cast %get3A_98 : i32 to index
      %get3A_101 = arith.index_cast %get3A_99 : i32 to index
      %get3A_102 = arith.index_cast %mul3A_97 : i32 to index
      %get3A_103 = tpu.vector_load %arg12[%get3A_100, %get3A_101, %get3A_102] {strides = array<i32>} : memref<2x16x2688xf32, #tpu.memory_space<vmem>>, vector<16xf32>,
      %add3A_104 = arith.addf %add3A_95, %get3A_103 : vector<16xf32>
      %mul3A_105 = arith.constant 16 : i32
      %mul3A_106 = arith.muli %add3A_16, %mul3A_105 : i32
      %get3A_107 = arith.constant 0 : i32
      %get3A_108 = arith.constant 10 : i32
      %get3A_109 = arith.index_cast %get3A_107 : i32 to index
      %get3A_110 = arith.index_cast %get3A_108 : i32 to index
      %get3A_111 = arith.index_cast %mul3A_106 : i32 to index
      %get3A_112 = tpu.vector_load %arg12[%get3A_109, %get3A_110, %get3A_111] {strides = array<i32>} : memref<2x16x2688xf32, #tpu.memory_space<vmem>>, vector<16xf32>,
      %add3A_113 = arith.addf %add3A_104, %get3A_112 : vector<16xf32>
      %mul3A_114 = arith.constant 16 : i32
      %mul3A_115 = arith.muli %add3A_16, %mul3A_114 : i32
      %get3A_116 = arith.constant 0 : i32
      %get3A_117 = arith.constant 11 : i32
      %get3A_118 = arith.index_cast %get3A_116 : i32 to index
      %get3A_119 = arith.index_cast %get3A_117 : i32 to index
      %get3A_120 = arith.index_cast %mul3A_115 : i32 to index
      %get3A_121 = tpu.vector_load %arg12[%get3A_118, %get3A_119, %get3A_120] {strides = array<i32>} : memref<2x16x2688xf32, #tpu.memory_space<vmem>>, vector<16xf32>,
      %add3A_122 = arith.addf %add3A_113, %get3A_121 : vector<16xf32>
      %mul3A_123 = arith.constant 16 : i32
      %mul3A_124 = arith.muli %add3A_16, %mul3A_123 : i32
      %get3A_125 = arith.constant 0 : i32
      %get3A_126 = arith.constant 12 : i32
      %get3A_127 = arith.index_cast %get3A_125 : i32 to index
      %get3A_128 = arith.index_cast %get3A_126 : i32 to index
      %get3A_129 = arith.index_cast %mul3A_124 : i32 to index
      %get3A_130 = tpu.vector_load %arg12[%get3A_127, %get3A_128, %get3A_129] {strides = array<i32>} : memref<2x16x2688xf32, #tpu.memory_space<vmem>>, vector<16xf32>,
      %add3A_131 = arith.addf %add3A_122, %get3A_130 : vector<16xf32>
      %mul3A_132 = arith.constant 16 : i32
      %mul3A_133 = arith.muli %add3A_16, %mul3A_132 : i32
      %get3A_134 = arith.constant 0 : i32
      %get3A_135 = arith.constant 13 : i32
      %get3A_136 = arith.index_cast %get3A_134 : i32 to index
      %get3A_137 = arith.index_cast %get3A_135 : i32 to index
      %get3A_138 = arith.index_cast %mul3A_133 : i32 to index
      %get3A_139 = tpu.vector_load %arg12[%get3A_136, %get3A_137, %get3A_138] {strides = array<i32>} : memref<2x16x2688xf32, #tpu.memory_space<vmem>>, vector<16xf32>,
      %add3A_140 = arith.addf %add3A_131, %get3A_139 : vector<16xf32>
      %mul3A_141 = arith.constant 16 : i32
      %mul3A_142 = arith.muli %add3A_16, %mul3A_141 : i32
      %get3A_143 = arith.constant 0 : i32
      %get3A_144 = arith.constant 14 : i32
      %get3A_145 = arith.index_cast %get3A_143 : i32 to index
      %get3A_146 = arith.index_cast %get3A_144 : i32 to index
      %get3A_147 = arith.index_cast %mul3A_142 : i32 to index
      %get3A_148 = tpu.vector_load %arg12[%get3A_145, %get3A_146, %get3A_147] {strides = array<i32>} : memref<2x16x2688xf32, #tpu.memory_space<vmem>>, vector<16xf32>,
      %add3A_149 = arith.addf %add3A_140, %get3A_148 : vector<16xf32>
      %mul3A_150 = arith.constant 16 : i32
      %mul3A_151 = arith.muli %add3A_16, %mul3A_150 : i32
      %get3A_152 = arith.constant 0 : i32
      %get3A_153 = arith.constant 15 : i32
      %get3A_154 = arith.index_cast %get3A_152 : i32 to index
      %get3A_155 = arith.index_cast %get3A_153 : i32 to index
      %get3A_156 = arith.index_cast %mul3A_151 : i32 to index
      %get3A_157 = tpu.vector_load %arg12[%get3A_154, %get3A_155, %get3A_156] {strides = array<i32>} : memref<2x16x2688xf32, #tpu.memory_space<vmem>>, vector<16xf32>,
      %add3A_158 = arith.addf %add3A_149, %get3A_157 : vector<16xf32>
      %mul3A_159 = arith.constant 16 : i32
      %mul3A_160 = arith.muli %add3A_16, %mul3A_159 : i32
      %get3A_161 = arith.constant 1 : i32
      %get3A_162 = arith.constant 0 : i32
      %get3A_163 = arith.index_cast %get3A_161 : i32 to index
      %get3A_164 = arith.index_cast %get3A_162 : i32 to index
      %get3A_165 = arith.index_cast %mul3A_160 : i32 to index
      %get3A_166 = tpu.vector_load %arg12[%get3A_163, %get3A_164, %get3A_165] {strides = array<i32>} : memref<2x16x2688xf32, #tpu.memory_space<vmem>>, vector<16xf32>,
      %add3A_167 = arith.addf %add3A_158, %get3A_166 : vector<16xf32>
      %mul3A_168 = arith.constant 16 : i32
      %mul3A_169 = arith.muli %add3A_16, %mul3A_168 : i32
      %get3A_170 = arith.constant 1 : i32
      %get3A_171 = arith.constant 1 : i32
      %get3A_172 = arith.index_cast %get3A_170 : i32 to index
      %get3A_173 = arith.index_cast %get3A_171 : i32 to index
      %get3A_174 = arith.index_cast %mul3A_169 : i32 to index
      %get3A_175 = tpu.vector_load %arg12[%get3A_172, %get3A_173, %get3A_174] {strides = array<i32>} : memref<2x16x2688xf32, #tpu.memory_space<vmem>>, vector<16xf32>,
      %add3A_176 = arith.addf %add3A_167, %get3A_175 : vector<16xf32>
      %mul3A_177 = arith.constant 16 : i32
      %mul3A_178 = arith.muli %add3A_16, %mul3A_177 : i32
      %get3A_179 = arith.constant 1 : i32
      %get3A_180 = arith.constant 2 : i32
      %get3A_181 = arith.index_cast %get3A_179 : i32 to index
      %get3A_182 = arith.index_cast %get3A_180 : i32 to index
      %get3A_183 = arith.index_cast %mul3A_178 : i32 to index
      %get3A_184 = tpu.vector_load %arg12[%get3A_181, %get3A_182, %get3A_183] {strides = array<i32>} : memref<2x16x2688xf32, #tpu.memory_space<vmem>>, vector<16xf32>,
      %add3A_185 = arith.addf %add3A_176, %get3A_184 : vector<16xf32>
      %mul3A_186 = arith.constant 16 : i32
      %mul3A_187 = arith.muli %add3A_16, %mul3A_186 : i32
      %get3A_188 = arith.constant 1 : i32
      %get3A_189 = arith.constant 3 : i32
      %get3A_190 = arith.index_cast %get3A_188 : i32 to index
      %get3A_191 = arith.index_cast %get3A_189 : i32 to index
      %get3A_192 = arith.index_cast %mul3A_187 : i32 to index
      %get3A_193 = tpu.vector_load %arg12[%get3A_190, %get3A_191, %get3A_192] {strides = array<i32>} : memref<2x16x2688xf32, #tpu.memory_space<vmem>>, vector<16xf32>,
      %add3A_194 = arith.addf %add3A_185, %get3A_193 : vector<16xf32>
      %mul3A_195 = arith.constant 16 : i32
      %mul3A_196 = arith.muli %add3A_16, %mul3A_195 : i32
      %get3A_197 = arith.constant 1 : i32
      %get3A_198 = arith.constant 4 : i32
      %get3A_199 = arith.index_cast %get3A_197 : i32 to index
      %get3A_200 = arith.index_cast %get3A_198 : i32 to index
      %get3A_201 = arith.index_cast %mul3A_196 : i32 to index
      %get3A_202 = tpu.vector_load %arg12[%get3A_199, %get3A_200, %get3A_201] {strides = array<i32>} : memref<2x16x2688xf32, #tpu.memory_space<vmem>>, vector<16xf32>,
      %add3A_203 = arith.addf %add3A_194, %get3A_202 : vector<16xf32>
      %mul3A_204 = arith.constant 16 : i32
      %mul3A_205 = arith.muli %add3A_16, %mul3A_204 : i32
      %get3A_206 = arith.constant 1 : i32
      %get3A_207 = arith.constant 5 : i32
      %get3A_208 = arith.index_cast %get3A_206 : i32 to index
      %get3A_209 = arith.index_cast %get3A_207 : i32 to index
      %get3A_210 = arith.index_cast %mul3A_205 : i32 to index
      %get3A_211 = tpu.vector_load %arg12[%get3A_208, %get3A_209, %get3A_210] {strides = array<i32>} : memref<2x16x2688xf32, #tpu.memory_space<vmem>>, vector<16xf32>,
      %add3A_212 = arith.addf %add3A_203, %get3A_211 : vector<16xf32>
      %mul3A_213 = arith.constant 16 : i32
      %mul3A_214 = arith.muli %add3A_16, %mul3A_213 : i32
      %get3A_215 = arith.constant 1 : i32
      %get3A_216 = arith.constant 6 : i32
      %get3A_217 = arith.index_cast %get3A_215 : i32 to index
      %get3A_218 = arith.index_cast %get3A_216 : i32 to index
      %get3A_219 = arith.index_cast %mul3A_214 : i32 to index
      %get3A_220 = tpu.vector_load %arg12[%get3A_217, %get3A_218, %get3A_219] {strides = array<i32>} : memref<2x16x2688xf32, #tpu.memory_space<vmem>>, vector<16xf32>,
      %add3A_221 = arith.addf %add3A_212, %get3A_220 : vector<16xf32>
      %mul3A_222 = arith.constant 16 : i32
      %mul3A_223 = arith.muli %add3A_16, %mul3A_222 : i32
      %get3A_224 = arith.constant 1 : i32
      %get3A_225 = arith.constant 7 : i32
      %get3A_226 = arith.index_cast %get3A_224 : i32 to index
      %get3A_227 = arith.index_cast %get3A_225 : i32 to index
      %get3A_228 = arith.index_cast %mul3A_223 : i32 to index
      %get3A_229 = tpu.vector_load %arg12[%get3A_226, %get3A_227, %get3A_228] {strides = array<i32>} : memref<2x16x2688xf32, #tpu.memory_space<vmem>>, vector<16xf32>,
      %add3A_230 = arith.addf %add3A_221, %get3A_229 : vector<16xf32>
      %mul3A_231 = arith.constant 16 : i32
      %mul3A_232 = arith.muli %add3A_16, %mul3A_231 : i32
      %get3A_233 = arith.constant 1 : i32
      %get3A_234 = arith.constant 8 : i32
      %get3A_235 = arith.index_cast %get3A_233 : i32 to index
      %get3A_236 = arith.index_cast %get3A_234 : i32 to index
      %get3A_237 = arith.index_cast %mul3A_232 : i32 to index
      %get3A_238 = tpu.vector_load %arg12[%get3A_235, %get3A_236, %get3A_237] {strides = array<i32>} : memref<2x16x2688xf32, #tpu.memory_space<vmem>>, vector<16xf32>,
      %add3A_239 = arith.addf %add3A_230, %get3A_238 : vector<16xf32>
      %mul3A_240 = arith.constant 16 : i32
      %mul3A_241 = arith.muli %add3A_16, %mul3A_240 : i32
      %get3A_242 = arith.constant 1 : i32
      %get3A_243 = arith.constant 9 : i32
      %get3A_244 = arith.index_cast %get3A_242 : i32 to index
      %get3A_245 = arith.index_cast %get3A_243 : i32 to index
      %get3A_246 = arith.index_cast %mul3A_241 : i32 to index
      %get3A_247 = tpu.vector_load %arg12[%get3A_244, %get3A_245, %get3A_246] {strides = array<i32>} : memref<2x16x2688xf32, #tpu.memory_space<vmem>>, vector<16xf32>,
      %add3A_248 = arith.addf %add3A_239, %get3A_247 : vector<16xf32>
      %mul3A_249 = arith.constant 16 : i32
      %mul3A_250 = arith.muli %add3A_16, %mul3A_249 : i32
      %get3A_251 = arith.constant 1 : i32
      %get3A_252 = arith.constant 10 : i32
      %get3A_253 = arith.index_cast %get3A_251 : i32 to index
      %get3A_254 = arith.index_cast %get3A_252 : i32 to index
      %get3A_255 = arith.index_cast %mul3A_250 : i32 to index
      %get3A_256 = tpu.vector_load %arg12[%get3A_253, %get3A_254, %get3A_255] {strides = array<i32>} : memref<2x16x2688xf32, #tpu.memory_space<vmem>>, vector<16xf32>,
      %add3A_257 = arith.addf %add3A_248, %get3A_256 : vector<16xf32>
      %mul3A_258 = arith.constant 16 : i32
      %mul3A_259 = arith.muli %add3A_16, %mul3A_258 : i32
      %get3A_260 = arith.constant 1 : i32
      %get3A_261 = arith.constant 11 : i32
      %get3A_262 = arith.index_cast %get3A_260 : i32 to index
      %get3A_263 = arith.index_cast %get3A_261 : i32 to index
      %get3A_264 = arith.index_cast %mul3A_259 : i32 to index
      %get3A_265 = tpu.vector_load %arg12[%get3A_262, %get3A_263, %get3A_264] {strides = array<i32>} : memref<2x16x2688xf32, #tpu.memory_space<vmem>>, vector<16xf32>,
      %add3A_266 = arith.addf %add3A_257, %get3A_265 : vector<16xf32>
      %mul3A_267 = arith.constant 16 : i32
      %mul3A_268 = arith.muli %add3A_16, %mul3A_267 : i32
      %get3A_269 = arith.constant 1 : i32
      %get3A_270 = arith.constant 12 : i32
      %get3A_271 = arith.index_cast %get3A_269 : i32 to index
      %get3A_272 = arith.index_cast %get3A_270 : i32 to index
      %get3A_273 = arith.index_cast %mul3A_268 : i32 to index
      %get3A_274 = tpu.vector_load %arg12[%get3A_271, %get3A_272, %get3A_273] {strides = array<i32>} : memref<2x16x2688xf32, #tpu.memory_space<vmem>>, vector<16xf32>,
      %add3A_275 = arith.addf %add3A_266, %get3A_274 : vector<16xf32>
      %mul3A_276 = arith.constant 16 : i32
      %mul3A_277 = arith.muli %add3A_16, %mul3A_276 : i32
      %get3A_278 = arith.constant 1 : i32
      %get3A_279 = arith.constant 13 : i32
      %get3A_280 = arith.index_cast %get3A_278 : i32 to index
      %get3A_281 = arith.index_cast %get3A_279 : i32 to index
      %get3A_282 = arith.index_cast %mul3A_277 : i32 to index
      %get3A_283 = tpu.vector_load %arg12[%get3A_280, %get3A_281, %get3A_282] {strides = array<i32>} : memref<2x16x2688xf32, #tpu.memory_space<vmem>>, vector<16xf32>,
      %add3A_284 = arith.addf %add3A_275, %get3A_283 : vector<16xf32>
      %mul3A_285 = arith.constant 16 : i32
      %mul3A_286 = arith.muli %add3A_16, %mul3A_285 : i32
      %get3A_287 = arith.constant 1 : i32
      %get3A_288 = arith.constant 14 : i32
      %get3A_289 = arith.index_cast %get3A_287 : i32 to index
      %get3A_290 = arith.index_cast %get3A_288 : i32 to index
      %get3A_291 = arith.index_cast %mul3A_286 : i32 to index
      %get3A_292 = tpu.vector_load %arg12[%get3A_289, %get3A_290, %get3A_291] {strides = array<i32>} : memref<2x16x2688xf32, #tpu.memory_space<vmem>>, vector<16xf32>,
      %add3A_293 = arith.addf %add3A_284, %get3A_292 : vector<16xf32>
      %mul3A_294 = arith.constant 16 : i32
      %mul3A_295 = arith.muli %add3A_16, %mul3A_294 : i32
      %get3A_296 = arith.constant 1 : i32
      %get3A_297 = arith.constant 15 : i32
      %get3A_298 = arith.index_cast %get3A_296 : i32 to index
      %get3A_299 = arith.index_cast %get3A_297 : i32 to index
      %get3A_300 = arith.index_cast %mul3A_295 : i32 to index
      %get3A_301 = tpu.vector_load %arg12[%get3A_298, %get3A_299, %get3A_300] {strides = array<i32>} : memref<2x16x2688xf32, #tpu.memory_space<vmem>>, vector<16xf32>,
      %add3A_302 = arith.addf %add3A_293, %get3A_301 : vector<16xf32>
      %mul3A_303 = arith.constant 16 : i32
      %mul3A_304 = arith.muli %add3A_16, %mul3A_303 : i32
      %swap3A = arith.index_cast %mul3A_304 : i32 to index
      %swap3A_305 = tpu.vector_load %arg13[%swap3A] {strides = array<i32>} : memref<2688xf32, #tpu.memory_space<vmem>>, vector<16xf32>,
      tpu.vector_store %arg13[%swap3A], %add3A_302 {strides = array<i32>} : memref<2688xf32, #tpu.memory_space<vmem>>, vector<16xf32>,
    }
    %scan3A_6 = arith.constant 168 : i32
    %scan3A_7 = arith.constant 0 : i32
    %scan3A_8 = arith.constant 5 : i32
    %scan3A_9 = arith.addi %scan3A_7, %scan3A_8 : i32
    %scan3A_10 = arith.constant 1 : i32
    scf.for %scan3A_12 = %scan3A_7 to %scan3A_9 step %scan3A_10  : i32 {
      %mul3A_13 = arith.constant 1 : i32
      %mul3A_14 = arith.muli %scan3A_12, %mul3A_13 : i32
      %add3A_15 = arith.constant 0 : i32
      %add3A_16 = arith.addi %add3A_15, %mul3A_14 : i32
      %mul3A_17 = arith.constant 16 : i32
      %mul3A_18 = arith.muli %add3A_16, %mul3A_17 : i32
      %get3A = arith.index_cast %mul3A_18 : i32 to index
      %get3A_19 = tpu.vector_load %arg9[%get3A] {strides = array<i32>} : memref<80xi32, #tpu.memory_space<vmem>>, vector<16xi32>,
      %gather3A = tpu.vector_load_idx %arg13[%get3A_19] : memref<2688xf32, #tpu.memory_space<vmem>>[vector<16xi32>], vector<16xf32>,
      %mul3A_20 = arith.constant 16 : i32
      %mul3A_21 = arith.muli %add3A_16, %mul3A_20 : i32
      %swap3A = arith.index_cast %mul3A_21 : i32 to index
      %swap3A_22 = tpu.vector_load %arg14[%swap3A] {strides = array<i32>} : memref<80xf32, #tpu.memory_space<vmem>>, vector<16xf32>,
      tpu.vector_store %arg14[%swap3A], %gather3A {strides = array<i32>} : memref<80xf32, #tpu.memory_space<vmem>>, vector<16xf32>,
    }
    %scan3A_11 = arith.constant 5 : i32
    "tpu.region"() ({
      %run_scoped3A = tpu.sem_alloc : memref<!tpu.dma_semaphore, #tpu.memory_space<semaphore_mem>>
      %dma_start3A = arith.constant 0 : i32
      %dma_start3A_12 = tpu.memref_slice %arg6[%mul3A_2, %dma_start3A] : memref<2560x128xf32, #tpu.memory_space<hbm>> -> memref<80x128xf32, #tpu.memory_space<hbm>>
      %dma_start3A_13 = arith.constant 0 : i32
      %dma_start3A_14 = tpu.memref_slice %arg6[%mul3A_2, %dma_start3A_13] : memref<2560x128xf32, #tpu.memory_space<hbm>> -> memref<80x128xf32, #tpu.memory_space<hbm>>
      tpu.enqueue_dma source(%arg10 : memref<80x128xf32, #tpu.memory_space<vmem>>) target(%dma_start3A_14 : memref<80x128xf32, #tpu.memory_space<hbm>>) target_semaphore(%run_scoped3A : memref<!tpu.dma_semaphore, #tpu.memory_space<semaphore_mem>>)
      %dma_wait3A = arith.constant 0 : i32
      %dma_wait3A_15 = tpu.memref_slice %arg6[%mul3A_2, %dma_wait3A] : memref<2560x128xf32, #tpu.memory_space<hbm>> -> memref<80x128xf32, #tpu.memory_space<hbm>>
      %dma_wait3A_16 = arith.constant 0 : i32
      %dma_wait3A_17 = tpu.memref_slice %arg6[%mul3A_2, %dma_wait3A_16] : memref<2560x128xf32, #tpu.memory_space<hbm>> -> memref<80x128xf32, #tpu.memory_space<hbm>>
      tpu.wait_dma2 semaphore(%run_scoped3A : memref<!tpu.dma_semaphore, #tpu.memory_space<semaphore_mem>>) src(%arg10 : memref<80x128xf32, #tpu.memory_space<vmem>>) dst(%dma_wait3A_17 : memref<80x128xf32, #tpu.memory_space<hbm>>)
      tpu.yield
    }) : () -> ()
    "tpu.region"() ({
      %run_scoped3A = tpu.sem_alloc : memref<!tpu.dma_semaphore, #tpu.memory_space<semaphore_mem>>
      %dma_start3A = arith.constant 0 : i32
      %dma_start3A_12 = tpu.memref_slice %arg7[%mul3A_2, %dma_start3A] : memref<2560x128xf32, #tpu.memory_space<hbm>> -> memref<80x128xf32, #tpu.memory_space<hbm>>
      %dma_start3A_13 = arith.constant 0 : i32
      %dma_start3A_14 = tpu.memref_slice %arg7[%mul3A_2, %dma_start3A_13] : memref<2560x128xf32, #tpu.memory_space<hbm>> -> memref<80x128xf32, #tpu.memory_space<hbm>>
      tpu.enqueue_dma source(%arg11 : memref<80x128xf32, #tpu.memory_space<vmem>>) target(%dma_start3A_14 : memref<80x128xf32, #tpu.memory_space<hbm>>) target_semaphore(%run_scoped3A : memref<!tpu.dma_semaphore, #tpu.memory_space<semaphore_mem>>)
      %dma_wait3A = arith.constant 0 : i32
      %dma_wait3A_15 = tpu.memref_slice %arg7[%mul3A_2, %dma_wait3A] : memref<2560x128xf32, #tpu.memory_space<hbm>> -> memref<80x128xf32, #tpu.memory_space<hbm>>
      %dma_wait3A_16 = arith.constant 0 : i32
      %dma_wait3A_17 = tpu.memref_slice %arg7[%mul3A_2, %dma_wait3A_16] : memref<2560x128xf32, #tpu.memory_space<hbm>> -> memref<80x128xf32, #tpu.memory_space<hbm>>
      tpu.wait_dma2 semaphore(%run_scoped3A : memref<!tpu.dma_semaphore, #tpu.memory_space<semaphore_mem>>) src(%arg11 : memref<80x128xf32, #tpu.memory_space<vmem>>) dst(%dma_wait3A_17 : memref<80x128xf32, #tpu.memory_space<hbm>>)
      tpu.yield
    }) : () -> ()
    "tpu.region"() ({
      %run_scoped3A = tpu.sem_alloc : memref<!tpu.dma_semaphore, #tpu.memory_space<semaphore_mem>>
      %dma_start3A = tpu.memref_slice %arg8[%mul3A_2] : memref<2560xf32, #tpu.memory_space<hbm>> -> memref<80xf32, #tpu.memory_space<hbm>>
      %dma_start3A_12 = tpu.memref_slice %arg8[%mul3A_2] : memref<2560xf32, #tpu.memory_space<hbm>> -> memref<80xf32, #tpu.memory_space<hbm>>
      tpu.enqueue_dma source(%arg14 : memref<80xf32, #tpu.memory_space<vmem>>) target(%dma_start3A_12 : memref<80xf32, #tpu.memory_space<hbm>>) target_semaphore(%run_scoped3A : memref<!tpu.dma_semaphore, #tpu.memory_space<semaphore_mem>>)
      %dma_wait3A = tpu.memref_slice %arg8[%mul3A_2] : memref<2560xf32, #tpu.memory_space<hbm>> -> memref<80xf32, #tpu.memory_space<hbm>>
      %dma_wait3A_13 = tpu.memref_slice %arg8[%mul3A_2] : memref<2560xf32, #tpu.memory_space<hbm>> -> memref<80xf32, #tpu.memory_space<hbm>>
      tpu.wait_dma2 semaphore(%run_scoped3A : memref<!tpu.dma_semaphore, #tpu.memory_space<semaphore_mem>>) src(%arg14 : memref<80xf32, #tpu.memory_space<vmem>>) dst(%dma_wait3A_13 : memref<80xf32, #tpu.memory_space<hbm>>)
      tpu.yield
    }) : () -> ()
    return
  }
}

#map = affine_map<(d0, d1) -> (0, 0)>
#map1 = affine_map<(d0, d1) -> (0)>
#map2 = affine_map<(d0, d1) -> (0, 0, 0)>
module attributes {stable_mosaic.version = 14 : i64} {
  func.func @_scatter_body(%arg0: i32, %arg1: i32, %arg2: memref<10240x128xf32, #tpu.memory_space<hbm>>, %arg3: memref<2560x128xi32, #tpu.memory_space<hbm>>, %arg4: memref<2560x128xf32, #tpu.memory_space<hbm>>, %arg5: memref<2560xi32, #tpu.memory_space<hbm>>, %arg6: memref<168x128xf32, #tpu.memory_space<hbm>>, %arg7: memref<2560x128xf32, #tpu.memory_space<hbm>>, %arg8: memref<2560x128xf32, #tpu.memory_space<hbm>>, %arg9: memref<2x16x2688xf32, #tpu.memory_space<hbm>>, %arg10: memref<2560xi32, #tpu.memory_space<hbm>>, %arg11: memref<2688x128xf32, #tpu.memory_space<vmem_shared>>, %arg12: memref<10240xi32, #tpu.memory_space<vmem>>, %arg13: memref<2560xi32, #tpu.memory_space<vmem>>, %arg14: memref<2688xf32, #tpu.memory_space<vmem>>, %arg15: memref<80x128xi32, #tpu.memory_space<vmem>>, %arg16: memref<10240xi32, #tpu.memory_space<vmem>>, %arg17: memref<10240xf32, #tpu.memory_space<vmem>>, %arg18: memref<2x128x128xf32, #tpu.memory_space<vmem>>, %arg19: memref<80x128xi32, #tpu.memory_space<vmem>>, %arg20: memref<80x128xf32, #tpu.memory_space<vmem>>, %arg21: memref<80xi32, #tpu.memory_space<vmem>>, %arg22: memref<2x!tpu.dma_semaphore, #tpu.memory_space<semaphore_mem>>) attributes {dimension_semantics = [#tpu.dimension_semantics<core_parallel>, #tpu.dimension_semantics<subcore_parallel>], iteration_bounds = array<i64: 2, 16>, scalar_prefetch = 0 : i64, scratch_operands = 12 : i64, tpu.core_type = #tpu.core_type<sc_vector_subcore>, window_params = [{transform_indices = #map}, {transform_indices = #map}, {transform_indices = #map}, {transform_indices = #map1}, {transform_indices = #map}, {transform_indices = #map}, {transform_indices = #map}, {transform_indices = #map2}, {transform_indices = #map1}]} {
    %mul3A = arith.constant 2 : i32
    %mul3A_0 = arith.muli %arg1, %mul3A : i32
    %add3A = arith.addi %mul3A_0, %arg0 : i32
    %mul3A_1 = arith.constant 80 : i32
    %mul3A_2 = arith.muli %add3A, %mul3A_1 : i32
    %mul3A_3 = arith.constant 80 : i32
    %mul3A_4 = arith.muli %add3A, %mul3A_3 : i32
    %iota3A = tpu.iota {dimensions = array<i32: 0>} : vector<16xi32>
    "tpu.region"() ({
      %run_scoped3A = tpu.sem_alloc : memref<!tpu.dma_semaphore, #tpu.memory_space<semaphore_mem>>
      %dma_start3A = arith.constant 0 : i32
      %dma_start3A_70 = tpu.memref_slice %arg3[%mul3A_2, %dma_start3A] : memref<2560x128xi32, #tpu.memory_space<hbm>> -> memref<80x128xi32, #tpu.memory_space<hbm>>
      %dma_start3A_71 = arith.constant 0 : i32
      %dma_start3A_72 = tpu.memref_slice %arg3[%mul3A_2, %dma_start3A_71] : memref<2560x128xi32, #tpu.memory_space<hbm>> -> memref<80x128xi32, #tpu.memory_space<hbm>>
      tpu.enqueue_dma source(%dma_start3A_72 : memref<80x128xi32, #tpu.memory_space<hbm>>) target(%arg19 : memref<80x128xi32, #tpu.memory_space<vmem>>) target_semaphore(%run_scoped3A : memref<!tpu.dma_semaphore, #tpu.memory_space<semaphore_mem>>)
      %dma_wait3A = arith.constant 0 : i32
      %dma_wait3A_73 = tpu.memref_slice %arg3[%mul3A_2, %dma_wait3A] : memref<2560x128xi32, #tpu.memory_space<hbm>> -> memref<80x128xi32, #tpu.memory_space<hbm>>
      %dma_wait3A_74 = arith.constant 0 : i32
      %dma_wait3A_75 = tpu.memref_slice %arg3[%mul3A_2, %dma_wait3A_74] : memref<2560x128xi32, #tpu.memory_space<hbm>> -> memref<80x128xi32, #tpu.memory_space<hbm>>
      tpu.wait_dma2 semaphore(%run_scoped3A : memref<!tpu.dma_semaphore, #tpu.memory_space<semaphore_mem>>) src(%dma_wait3A_75 : memref<80x128xi32, #tpu.memory_space<hbm>>) dst(%arg19 : memref<80x128xi32, #tpu.memory_space<vmem>>)
      tpu.yield
    }) : () -> ()
    "tpu.region"() ({
      %run_scoped3A = tpu.sem_alloc : memref<!tpu.dma_semaphore, #tpu.memory_space<semaphore_mem>>
      %dma_start3A = arith.constant 0 : i32
      %dma_start3A_70 = tpu.memref_slice %arg4[%mul3A_2, %dma_start3A] : memref<2560x128xf32, #tpu.memory_space<hbm>> -> memref<80x128xf32, #tpu.memory_space<hbm>>
      %dma_start3A_71 = arith.constant 0 : i32
      %dma_start3A_72 = tpu.memref_slice %arg4[%mul3A_2, %dma_start3A_71] : memref<2560x128xf32, #tpu.memory_space<hbm>> -> memref<80x128xf32, #tpu.memory_space<hbm>>
      tpu.enqueue_dma source(%dma_start3A_72 : memref<80x128xf32, #tpu.memory_space<hbm>>) target(%arg20 : memref<80x128xf32, #tpu.memory_space<vmem>>) target_semaphore(%run_scoped3A : memref<!tpu.dma_semaphore, #tpu.memory_space<semaphore_mem>>)
      %dma_wait3A = arith.constant 0 : i32
      %dma_wait3A_73 = tpu.memref_slice %arg4[%mul3A_2, %dma_wait3A] : memref<2560x128xf32, #tpu.memory_space<hbm>> -> memref<80x128xf32, #tpu.memory_space<hbm>>
      %dma_wait3A_74 = arith.constant 0 : i32
      %dma_wait3A_75 = tpu.memref_slice %arg4[%mul3A_2, %dma_wait3A_74] : memref<2560x128xf32, #tpu.memory_space<hbm>> -> memref<80x128xf32, #tpu.memory_space<hbm>>
      tpu.wait_dma2 semaphore(%run_scoped3A : memref<!tpu.dma_semaphore, #tpu.memory_space<semaphore_mem>>) src(%dma_wait3A_75 : memref<80x128xf32, #tpu.memory_space<hbm>>) dst(%arg20 : memref<80x128xf32, #tpu.memory_space<vmem>>)
      tpu.yield
    }) : () -> ()
    "tpu.region"() ({
      %run_scoped3A = tpu.sem_alloc : memref<!tpu.dma_semaphore, #tpu.memory_space<semaphore_mem>>
      tpu.enqueue_dma source(%arg5 : memref<2560xi32, #tpu.memory_space<hbm>>) target(%arg13 : memref<2560xi32, #tpu.memory_space<vmem>>) target_semaphore(%run_scoped3A : memref<!tpu.dma_semaphore, #tpu.memory_space<semaphore_mem>>)
      tpu.wait_dma2 semaphore(%run_scoped3A : memref<!tpu.dma_semaphore, #tpu.memory_space<semaphore_mem>>) src(%arg5 : memref<2560xi32, #tpu.memory_space<hbm>>) dst(%arg13 : memref<2560xi32, #tpu.memory_space<vmem>>)
      tpu.yield
    }) : () -> ()
    %mul3A_5 = arith.constant 168 : i32
    %mul3A_6 = arith.muli %arg1, %mul3A_5 : i32
    "tpu.region"() ({
      %run_scoped3A = tpu.sem_alloc : memref<!tpu.dma_semaphore, #tpu.memory_space<semaphore_mem>>
      %dma_start3A = arith.constant 0 : i32
      %dma_start3A_70 = tpu.memref_slice %arg11[%mul3A_6, %dma_start3A] : memref<2688x128xf32, #tpu.memory_space<vmem_shared>> -> memref<168x128xf32, #tpu.memory_space<vmem_shared>>
      tpu.enqueue_dma source(%arg6 : memref<168x128xf32, #tpu.memory_space<hbm>>) target(%dma_start3A_70 : memref<168x128xf32, #tpu.memory_space<vmem_shared>>) target_semaphore(%run_scoped3A : memref<!tpu.dma_semaphore, #tpu.memory_space<semaphore_mem>>)
      %dma_wait3A = arith.constant 0 : i32
      %dma_wait3A_71 = tpu.memref_slice %arg11[%mul3A_6, %dma_wait3A] : memref<2688x128xf32, #tpu.memory_space<vmem_shared>> -> memref<168x128xf32, #tpu.memory_space<vmem_shared>>
      tpu.wait_dma2 semaphore(%run_scoped3A : memref<!tpu.dma_semaphore, #tpu.memory_space<semaphore_mem>>) src(%arg6 : memref<168x128xf32, #tpu.memory_space<hbm>>) dst(%dma_wait3A_71 : memref<168x128xf32, #tpu.memory_space<vmem_shared>>)
      tpu.yield
    }) : () -> ()
    %scan3A = arith.constant 0 : i32
    %scan3A_7 = arith.constant 640 : i32
    %scan3A_8 = arith.addi %scan3A, %scan3A_7 : i32
    %scan3A_9 = arith.constant 1 : i32
    scf.for %scan3A_70 = %scan3A to %scan3A_8 step %scan3A_9  : i32 {
      %mul3A_71 = arith.constant 1 : i32
      %mul3A_72 = arith.muli %scan3A_70, %mul3A_71 : i32
      %add3A_73 = arith.constant 0 : i32
      %add3A_74 = arith.addi %add3A_73, %mul3A_72 : i32
      %broadcast_in_dim3A_75 = arith.constant 2560 : i32
      %broadcast_in_dim3A_76 = vector.broadcast %broadcast_in_dim3A_75 : i32 to vector<16xi32>
      %mul3A_77 = arith.constant 16 : i32
      %mul3A_78 = arith.muli %add3A_74, %mul3A_77 : i32
      %swap3A = arith.index_cast %mul3A_78 : i32 to index
      %swap3A_79 = tpu.vector_load %arg12[%swap3A] {strides = array<i32>} : memref<10240xi32, #tpu.memory_space<vmem>>, vector<16xi32>,
      tpu.vector_store %arg12[%swap3A], %broadcast_in_dim3A_76 {strides = array<i32>} : memref<10240xi32, #tpu.memory_space<vmem>>, vector<16xi32>,
    }
    %scan3A_10 = arith.constant 640 : i32
    %scan3A_11 = arith.constant 0 : i32
    %scan3A_12 = arith.constant 160 : i32
    %scan3A_13 = arith.addi %scan3A_11, %scan3A_12 : i32
    %scan3A_14 = arith.constant 1 : i32
    scf.for %scan3A_70 = %scan3A_11 to %scan3A_13 step %scan3A_14  : i32 {
      %mul3A_71 = arith.constant 1 : i32
      %mul3A_72 = arith.muli %scan3A_70, %mul3A_71 : i32
      %add3A_73 = arith.constant 0 : i32
      %add3A_74 = arith.addi %add3A_73, %mul3A_72 : i32
      %mul3A_75 = arith.constant 16 : i32
      %mul3A_76 = arith.muli %add3A_74, %mul3A_75 : i32
      %get3A = arith.index_cast %mul3A_76 : i32 to index
      %get3A_77 = tpu.vector_load %arg13[%get3A] {strides = array<i32>} : memref<2560xi32, #tpu.memory_space<vmem>>, vector<16xi32>,
      %mul3A_78 = arith.constant 16 : i32
      %mul3A_79 = arith.muli %add3A_74, %mul3A_78 : i32
      %add3A_80 = vector.broadcast %mul3A_79 : i32 to vector<16xi32>
      %add3A_81 = arith.addi %add3A_80, %iota3A : vector<16xi32>
      tpu.vector_store_idx %arg12[%get3A_77], %add3A_81 : memref<10240xi32, #tpu.memory_space<vmem>>[vector<16xi32>], vector<16xi32>,
    }
    %scan3A_15 = arith.constant 160 : i32
    %scan3A_16 = arith.constant 0 : i32
    %scan3A_17 = arith.constant 168 : i32
    %scan3A_18 = arith.addi %scan3A_16, %scan3A_17 : i32
    %scan3A_19 = arith.constant 1 : i32
    scf.for %scan3A_70 = %scan3A_16 to %scan3A_18 step %scan3A_19  : i32 {
      %mul3A_71 = arith.constant 1 : i32
      %mul3A_72 = arith.muli %scan3A_70, %mul3A_71 : i32
      %add3A_73 = arith.constant 0 : i32
      %add3A_74 = arith.addi %add3A_73, %mul3A_72 : i32
      %broadcast_in_dim3A_75 = arith.constant 0.000000e+00 : f32
      %broadcast_in_dim3A_76 = vector.broadcast %broadcast_in_dim3A_75 : f32 to vector<16xf32>
      %mul3A_77 = arith.constant 16 : i32
      %mul3A_78 = arith.muli %add3A_74, %mul3A_77 : i32
      %swap3A = arith.index_cast %mul3A_78 : i32 to index
      %swap3A_79 = tpu.vector_load %arg14[%swap3A] {strides = array<i32>} : memref<2688xf32, #tpu.memory_space<vmem>>, vector<16xf32>,
      tpu.vector_store %arg14[%swap3A], %broadcast_in_dim3A_76 {strides = array<i32>} : memref<2688xf32, #tpu.memory_space<vmem>>, vector<16xf32>,
    }
    %scan3A_20 = arith.constant 168 : i32
    %scan3A_21 = arith.constant 0 : i32
    %scan3A_22 = arith.constant 80 : i32
    %scan3A_23 = arith.addi %scan3A_21, %scan3A_22 : i32
    %scan3A_24 = arith.constant 1 : i32
    scf.for %scan3A_70 = %scan3A_21 to %scan3A_23 step %scan3A_24  : i32 {
      %mul3A_71 = arith.constant 1 : i32
      %mul3A_72 = arith.muli %scan3A_70, %mul3A_71 : i32
      %add3A_73 = arith.constant 0 : i32
      %add3A_74 = arith.addi %add3A_73, %mul3A_72 : i32
      %broadcast_in_dim3A_75 = arith.constant 2560 : i32
      %broadcast_in_dim3A_76 = vector.broadcast %broadcast_in_dim3A_75 : i32 to vector<16xi32>
      %swap3A = arith.index_cast %add3A_74 : i32 to index
      %swap3A_77 = arith.constant 0 : index
      %swap3A_78 = tpu.vector_load %arg15[%swap3A, %swap3A_77] {strides = array<i32>} : memref<80x128xi32, #tpu.memory_space<vmem>>, vector<16xi32>,
      tpu.vector_store %arg15[%swap3A, %swap3A_77], %broadcast_in_dim3A_76 {strides = array<i32>} : memref<80x128xi32, #tpu.memory_space<vmem>>, vector<16xi32>,
      %broadcast_in_dim3A_79 = arith.constant 0 : i32
      %broadcast_in_dim3A_80 = vector.broadcast %broadcast_in_dim3A_79 : i32 to vector<16xi32>
      %mul3A_81 = arith.constant 128 : i32
      %mul3A_82 = arith.muli %add3A_74, %mul3A_81 : i32
      %add3A_83 = arith.constant 0 : i32
      %add3A_84 = arith.addi %mul3A_82, %add3A_83 : i32
      %swap3A_85 = arith.index_cast %add3A_84 : i32 to index
      %swap3A_86 = tpu.vector_load %arg16[%swap3A_85] {strides = array<i32>} : memref<10240xi32, #tpu.memory_space<vmem>>, vector<16xi32>,
      tpu.vector_store %arg16[%swap3A_85], %broadcast_in_dim3A_80 {strides = array<i32>} : memref<10240xi32, #tpu.memory_space<vmem>>, vector<16xi32>,
      %broadcast_in_dim3A_87 = arith.constant 2560 : i32
      %broadcast_in_dim3A_88 = vector.broadcast %broadcast_in_dim3A_87 : i32 to vector<16xi32>
      %swap3A_89 = arith.index_cast %add3A_74 : i32 to index
      %swap3A_90 = arith.constant 16 : index
      %swap3A_91 = tpu.vector_load %arg15[%swap3A_89, %swap3A_90] {strides = array<i32>} : memref<80x128xi32, #tpu.memory_space<vmem>>, vector<16xi32>,
      tpu.vector_store %arg15[%swap3A_89, %swap3A_90], %broadcast_in_dim3A_88 {strides = array<i32>} : memref<80x128xi32, #tpu.memory_space<vmem>>, vector<16xi32>,
      %broadcast_in_dim3A_92 = arith.constant 0 : i32
      %broadcast_in_dim3A_93 = vector.broadcast %broadcast_in_dim3A_92 : i32 to vector<16xi32>
      %mul3A_94 = arith.constant 128 : i32
      %mul3A_95 = arith.muli %add3A_74, %mul3A_94 : i32
      %add3A_96 = arith.constant 16 : i32
      %add3A_97 = arith.addi %mul3A_95, %add3A_96 : i32
      %swap3A_98 = arith.index_cast %add3A_97 : i32 to index
      %swap3A_99 = tpu.vector_load %arg16[%swap3A_98] {strides = array<i32>} : memref<10240xi32, #tpu.memory_space<vmem>>, vector<16xi32>,
      tpu.vector_store %arg16[%swap3A_98], %broadcast_in_dim3A_93 {strides = array<i32>} : memref<10240xi32, #tpu.memory_space<vmem>>, vector<16xi32>,
      %broadcast_in_dim3A_100 = arith.constant 2560 : i32
      %broadcast_in_dim3A_101 = vector.broadcast %broadcast_in_dim3A_100 : i32 to vector<16xi32>
      %swap3A_102 = arith.index_cast %add3A_74 : i32 to index
      %swap3A_103 = arith.constant 32 : index
      %swap3A_104 = tpu.vector_load %arg15[%swap3A_102, %swap3A_103] {strides = array<i32>} : memref<80x128xi32, #tpu.memory_space<vmem>>, vector<16xi32>,
      tpu.vector_store %arg15[%swap3A_102, %swap3A_103], %broadcast_in_dim3A_101 {strides = array<i32>} : memref<80x128xi32, #tpu.memory_space<vmem>>, vector<16xi32>,
      %broadcast_in_dim3A_105 = arith.constant 0 : i32
      %broadcast_in_dim3A_106 = vector.broadcast %broadcast_in_dim3A_105 : i32 to vector<16xi32>
      %mul3A_107 = arith.constant 128 : i32
      %mul3A_108 = arith.muli %add3A_74, %mul3A_107 : i32
      %add3A_109 = arith.constant 32 : i32
      %add3A_110 = arith.addi %mul3A_108, %add3A_109 : i32
      %swap3A_111 = arith.index_cast %add3A_110 : i32 to index
      %swap3A_112 = tpu.vector_load %arg16[%swap3A_111] {strides = array<i32>} : memref<10240xi32, #tpu.memory_space<vmem>>, vector<16xi32>,
      tpu.vector_store %arg16[%swap3A_111], %broadcast_in_dim3A_106 {strides = array<i32>} : memref<10240xi32, #tpu.memory_space<vmem>>, vector<16xi32>,
      %broadcast_in_dim3A_113 = arith.constant 2560 : i32
      %broadcast_in_dim3A_114 = vector.broadcast %broadcast_in_dim3A_113 : i32 to vector<16xi32>
      %swap3A_115 = arith.index_cast %add3A_74 : i32 to index
      %swap3A_116 = arith.constant 48 : index
      %swap3A_117 = tpu.vector_load %arg15[%swap3A_115, %swap3A_116] {strides = array<i32>} : memref<80x128xi32, #tpu.memory_space<vmem>>, vector<16xi32>,
      tpu.vector_store %arg15[%swap3A_115, %swap3A_116], %broadcast_in_dim3A_114 {strides = array<i32>} : memref<80x128xi32, #tpu.memory_space<vmem>>, vector<16xi32>,
      %broadcast_in_dim3A_118 = arith.constant 0 : i32
      %broadcast_in_dim3A_119 = vector.broadcast %broadcast_in_dim3A_118 : i32 to vector<16xi32>
      %mul3A_120 = arith.constant 128 : i32
      %mul3A_121 = arith.muli %add3A_74, %mul3A_120 : i32
      %add3A_122 = arith.constant 48 : i32
      %add3A_123 = arith.addi %mul3A_121, %add3A_122 : i32
      %swap3A_124 = arith.index_cast %add3A_123 : i32 to index
      %swap3A_125 = tpu.vector_load %arg16[%swap3A_124] {strides = array<i32>} : memref<10240xi32, #tpu.memory_space<vmem>>, vector<16xi32>,
      tpu.vector_store %arg16[%swap3A_124], %broadcast_in_dim3A_119 {strides = array<i32>} : memref<10240xi32, #tpu.memory_space<vmem>>, vector<16xi32>,
      %broadcast_in_dim3A_126 = arith.constant 2560 : i32
      %broadcast_in_dim3A_127 = vector.broadcast %broadcast_in_dim3A_126 : i32 to vector<16xi32>
      %swap3A_128 = arith.index_cast %add3A_74 : i32 to index
      %swap3A_129 = arith.constant 64 : index
      %swap3A_130 = tpu.vector_load %arg15[%swap3A_128, %swap3A_129] {strides = array<i32>} : memref<80x128xi32, #tpu.memory_space<vmem>>, vector<16xi32>,
      tpu.vector_store %arg15[%swap3A_128, %swap3A_129], %broadcast_in_dim3A_127 {strides = array<i32>} : memref<80x128xi32, #tpu.memory_space<vmem>>, vector<16xi32>,
      %broadcast_in_dim3A_131 = arith.constant 0 : i32
      %broadcast_in_dim3A_132 = vector.broadcast %broadcast_in_dim3A_131 : i32 to vector<16xi32>
      %mul3A_133 = arith.constant 128 : i32
      %mul3A_134 = arith.muli %add3A_74, %mul3A_133 : i32
      %add3A_135 = arith.constant 64 : i32
      %add3A_136 = arith.addi %mul3A_134, %add3A_135 : i32
      %swap3A_137 = arith.index_cast %add3A_136 : i32 to index
      %swap3A_138 = tpu.vector_load %arg16[%swap3A_137] {strides = array<i32>} : memref<10240xi32, #tpu.memory_space<vmem>>, vector<16xi32>,
      tpu.vector_store %arg16[%swap3A_137], %broadcast_in_dim3A_132 {strides = array<i32>} : memref<10240xi32, #tpu.memory_space<vmem>>, vector<16xi32>,
      %broadcast_in_dim3A_139 = arith.constant 2560 : i32
      %broadcast_in_dim3A_140 = vector.broadcast %broadcast_in_dim3A_139 : i32 to vector<16xi32>
      %swap3A_141 = arith.index_cast %add3A_74 : i32 to index
      %swap3A_142 = arith.constant 80 : index
      %swap3A_143 = tpu.vector_load %arg15[%swap3A_141, %swap3A_142] {strides = array<i32>} : memref<80x128xi32, #tpu.memory_space<vmem>>, vector<16xi32>,
      tpu.vector_store %arg15[%swap3A_141, %swap3A_142], %broadcast_in_dim3A_140 {strides = array<i32>} : memref<80x128xi32, #tpu.memory_space<vmem>>, vector<16xi32>,
      %broadcast_in_dim3A_144 = arith.constant 0 : i32
      %broadcast_in_dim3A_145 = vector.broadcast %broadcast_in_dim3A_144 : i32 to vector<16xi32>
      %mul3A_146 = arith.constant 128 : i32
      %mul3A_147 = arith.muli %add3A_74, %mul3A_146 : i32
      %add3A_148 = arith.constant 80 : i32
      %add3A_149 = arith.addi %mul3A_147, %add3A_148 : i32
      %swap3A_150 = arith.index_cast %add3A_149 : i32 to index
      %swap3A_151 = tpu.vector_load %arg16[%swap3A_150] {strides = array<i32>} : memref<10240xi32, #tpu.memory_space<vmem>>, vector<16xi32>,
      tpu.vector_store %arg16[%swap3A_150], %broadcast_in_dim3A_145 {strides = array<i32>} : memref<10240xi32, #tpu.memory_space<vmem>>, vector<16xi32>,
      %broadcast_in_dim3A_152 = arith.constant 2560 : i32
      %broadcast_in_dim3A_153 = vector.broadcast %broadcast_in_dim3A_152 : i32 to vector<16xi32>
      %swap3A_154 = arith.index_cast %add3A_74 : i32 to index
      %swap3A_155 = arith.constant 96 : index
      %swap3A_156 = tpu.vector_load %arg15[%swap3A_154, %swap3A_155] {strides = array<i32>} : memref<80x128xi32, #tpu.memory_space<vmem>>, vector<16xi32>,
      tpu.vector_store %arg15[%swap3A_154, %swap3A_155], %broadcast_in_dim3A_153 {strides = array<i32>} : memref<80x128xi32, #tpu.memory_space<vmem>>, vector<16xi32>,
      %broadcast_in_dim3A_157 = arith.constant 0 : i32
      %broadcast_in_dim3A_158 = vector.broadcast %broadcast_in_dim3A_157 : i32 to vector<16xi32>
      %mul3A_159 = arith.constant 128 : i32
      %mul3A_160 = arith.muli %add3A_74, %mul3A_159 : i32
      %add3A_161 = arith.constant 96 : i32
      %add3A_162 = arith.addi %mul3A_160, %add3A_161 : i32
      %swap3A_163 = arith.index_cast %add3A_162 : i32 to index
      %swap3A_164 = tpu.vector_load %arg16[%swap3A_163] {strides = array<i32>} : memref<10240xi32, #tpu.memory_space<vmem>>, vector<16xi32>,
      tpu.vector_store %arg16[%swap3A_163], %broadcast_in_dim3A_158 {strides = array<i32>} : memref<10240xi32, #tpu.memory_space<vmem>>, vector<16xi32>,
      %broadcast_in_dim3A_165 = arith.constant 2560 : i32
      %broadcast_in_dim3A_166 = vector.broadcast %broadcast_in_dim3A_165 : i32 to vector<16xi32>
      %swap3A_167 = arith.index_cast %add3A_74 : i32 to index
      %swap3A_168 = arith.constant 112 : index
      %swap3A_169 = tpu.vector_load %arg15[%swap3A_167, %swap3A_168] {strides = array<i32>} : memref<80x128xi32, #tpu.memory_space<vmem>>, vector<16xi32>,
      tpu.vector_store %arg15[%swap3A_167, %swap3A_168], %broadcast_in_dim3A_166 {strides = array<i32>} : memref<80x128xi32, #tpu.memory_space<vmem>>, vector<16xi32>,
      %broadcast_in_dim3A_170 = arith.constant 0 : i32
      %broadcast_in_dim3A_171 = vector.broadcast %broadcast_in_dim3A_170 : i32 to vector<16xi32>
      %mul3A_172 = arith.constant 128 : i32
      %mul3A_173 = arith.muli %add3A_74, %mul3A_172 : i32
      %add3A_174 = arith.constant 112 : i32
      %add3A_175 = arith.addi %mul3A_173, %add3A_174 : i32
      %swap3A_176 = arith.index_cast %add3A_175 : i32 to index
      %swap3A_177 = tpu.vector_load %arg16[%swap3A_176] {strides = array<i32>} : memref<10240xi32, #tpu.memory_space<vmem>>, vector<16xi32>,
      tpu.vector_store %arg16[%swap3A_176], %broadcast_in_dim3A_171 {strides = array<i32>} : memref<10240xi32, #tpu.memory_space<vmem>>, vector<16xi32>,
    }
    %scan3A_25 = arith.constant 80 : i32
    %scan3A_26 = arith.constant 0 : i32
    %scan3A_27 = arith.constant 5 : i32
    %scan3A_28 = arith.addi %scan3A_26, %scan3A_27 : i32
    %scan3A_29 = arith.constant 1 : i32
    scf.for %scan3A_70 = %scan3A_26 to %scan3A_28 step %scan3A_29  : i32 {
      %mul3A_71 = arith.constant 1 : i32
      %mul3A_72 = arith.muli %scan3A_70, %mul3A_71 : i32
      %add3A_73 = arith.constant 0 : i32
      %add3A_74 = arith.addi %add3A_73, %mul3A_72 : i32
      %mul3A_75 = arith.constant 16 : i32
      %mul3A_76 = arith.muli %add3A_74, %mul3A_75 : i32
      %add3A_77 = arith.addi %mul3A_4, %mul3A_76 : i32
      %get3A = arith.index_cast %add3A_77 : i32 to index
      %get3A_78 = tpu.vector_load %arg13[%get3A] {strides = array<i32>} : memref<2560xi32, #tpu.memory_space<vmem>>, vector<16xi32>,
      %gather3A = tpu.vector_load_idx %arg12[%get3A_78] : memref<10240xi32, #tpu.memory_space<vmem>>[vector<16xi32>], vector<16xi32>,
      %mul3A_79 = arith.constant 16 : i32
      %mul3A_80 = arith.muli %add3A_74, %mul3A_79 : i32
      %swap3A = arith.index_cast %mul3A_80 : i32 to index
      %swap3A_81 = tpu.vector_load %arg21[%swap3A] {strides = array<i32>} : memref<80xi32, #tpu.memory_space<vmem>>, vector<16xi32>,
      tpu.vector_store %arg21[%swap3A], %gather3A {strides = array<i32>} : memref<80xi32, #tpu.memory_space<vmem>>, vector<16xi32>,
    }
    %scan3A_30 = arith.constant 5 : i32
    "tpu.region"() ({
      %run_scoped3A = tpu.sem_alloc : memref<!tpu.dma_semaphore, #tpu.memory_space<semaphore_mem>>
      %dma_start3A = tpu.memref_slice %arg10[%mul3A_4] : memref<2560xi32, #tpu.memory_space<hbm>> -> memref<80xi32, #tpu.memory_space<hbm>>
      %dma_start3A_70 = tpu.memref_slice %arg10[%mul3A_4] : memref<2560xi32, #tpu.memory_space<hbm>> -> memref<80xi32, #tpu.memory_space<hbm>>
      tpu.enqueue_dma source(%arg21 : memref<80xi32, #tpu.memory_space<vmem>>) target(%dma_start3A_70 : memref<80xi32, #tpu.memory_space<hbm>>) target_semaphore(%run_scoped3A : memref<!tpu.dma_semaphore, #tpu.memory_space<semaphore_mem>>)
      %dma_wait3A = tpu.memref_slice %arg10[%mul3A_4] : memref<2560xi32, #tpu.memory_space<hbm>> -> memref<80xi32, #tpu.memory_space<hbm>>
      %dma_wait3A_71 = tpu.memref_slice %arg10[%mul3A_4] : memref<2560xi32, #tpu.memory_space<hbm>> -> memref<80xi32, #tpu.memory_space<hbm>>
      tpu.wait_dma2 semaphore(%run_scoped3A : memref<!tpu.dma_semaphore, #tpu.memory_space<semaphore_mem>>) src(%arg21 : memref<80xi32, #tpu.memory_space<vmem>>) dst(%dma_wait3A_71 : memref<80xi32, #tpu.memory_space<hbm>>)
      tpu.yield
    }) : () -> ()
    %barrier3A = arith.constant 0 : index
    tpu.barrier barrier_id(%barrier3A)
    %broadcast_in_dim3A = arith.constant 0 : i32
    %broadcast_in_dim3A_31 = vector.broadcast %broadcast_in_dim3A : i32 to vector<16xi32>
    %scan3A_32 = arith.constant 0 : i32
    %scan3A_33 = arith.constant 80 : i32
    %scan3A_34 = arith.addi %scan3A_32, %scan3A_33 : i32
    %scan3A_35 = arith.constant 1 : i32
    %scan3A_36 = scf.for %scan3A_70 = %scan3A_32 to %scan3A_34 step %scan3A_35 iter_args(%scan3A_71 = %broadcast_in_dim3A_31) -> (vector<16xi32>)  : i32 {
      %get3A = arith.index_cast %scan3A_70 : i32 to index
      %get3A_72 = arith.constant 0 : index
      %get3A_73 = tpu.vector_load %arg19[%get3A, %get3A_72] {strides = array<i32>} : memref<80x128xi32, #tpu.memory_space<vmem>>, vector<16xi32>,
      %get3A_74 = arith.index_cast %scan3A_70 : i32 to index
      %get3A_75 = arith.constant 0 : index
      %get3A_76 = tpu.vector_load %arg20[%get3A_74, %get3A_75] {strides = array<i32>} : memref<80x128xf32, #tpu.memory_space<vmem>>, vector<16xf32>,
      %gather3A = tpu.vector_load_idx %arg12[%get3A_73] : memref<10240xi32, #tpu.memory_space<vmem>>[vector<16xi32>], vector<16xi32>,
      tpu.vector_store_idx %arg14[%gather3A], %get3A_76 {add = true} : memref<2688xf32, #tpu.memory_space<vmem>>[vector<16xi32>], vector<16xf32>,
      %lt3A = arith.constant 2560 : i32
      %lt3A_77 = vector.broadcast %lt3A : i32 to vector<16xi32>
      %lt3A_78 = arith.cmpi slt, %gather3A, %lt3A_77 : vector<16xi32>
      %convert_element_type3A_79 = arith.extui %lt3A_78 : vector<16xi1> to vector<16xi32>
      %broadcast_in_dim3A_80 = arith.constant true
      %broadcast_in_dim3A_81 = vector.broadcast %broadcast_in_dim3A_80 : i1 to vector<16xi1>
      %masked_cumsum3A = tpu.scan <sum>, %convert_element_type3A_79 masked %broadcast_in_dim3A_81 : vector<16xi32>, vector<16xi1> -> vector<16xi32>
      %add3A_82 = arith.addi %scan3A_71, %masked_cumsum3A : vector<16xi32>
      %sub3A = arith.constant 1 : i32
      %sub3A_83 = vector.broadcast %sub3A : i32 to vector<16xi32>
      %sub3A_84 = arith.subi %add3A_82, %sub3A_83 : vector<16xi32>
      %shift_right_logical3A_85 = arith.constant 7 : i32
      %shift_right_logical3A_86 = vector.broadcast %shift_right_logical3A_85 : i32 to vector<16xi32>
      %shift_right_logical3A_87 = arith.shrui %sub3A_84, %shift_right_logical3A_86 : vector<16xi32>
      %and3A = arith.constant 127 : i32
      %and3A_88 = vector.broadcast %and3A : i32 to vector<16xi32>
      %and3A_89 = arith.andi %sub3A_84, %and3A_88 : vector<16xi32>
      %add3A_90 = arith.addi %mul3A_2, %scan3A_70 : i32
      %mul3A_91 = arith.constant 128 : i32
      %mul3A_92 = arith.muli %add3A_90, %mul3A_91 : i32
      %add3A_93 = arith.constant 0 : i32
      %add3A_94 = arith.addi %mul3A_92, %add3A_93 : i32
      %add3A_95 = vector.broadcast %add3A_94 : i32 to vector<16xi32>
      %add3A_96 = arith.addi %add3A_95, %iota3A : vector<16xi32>
      %shift_right_logical3A_97 = arith.constant 5 : i32
      %shift_right_logical3A_98 = vector.broadcast %shift_right_logical3A_97 : i32 to vector<16xi32>
      %shift_right_logical3A_99 = arith.shrui %add3A_96, %shift_right_logical3A_98 : vector<16xi32>
      tpu.vector_store_idx %arg15[%shift_right_logical3A_87, %and3A_89], %gather3A masked %lt3A_78 : memref<80x128xi32, #tpu.memory_space<vmem>>[vector<16xi32>, vector<16xi32>], vector<16xi32>, vector<16xi1>
      tpu.vector_store_idx %arg16[%sub3A_84], %shift_right_logical3A_99 masked %lt3A_78 : memref<10240xi32, #tpu.memory_space<vmem>>[vector<16xi32>], vector<16xi32>, vector<16xi1>
      tpu.vector_store_idx %arg17[%sub3A_84], %get3A_76 masked %lt3A_78 : memref<10240xf32, #tpu.memory_space<vmem>>[vector<16xi32>], vector<16xf32>, vector<16xi1>
      %all_reduce_population_count3A = tpu.all_reduce %lt3A_78 {dim = 0 : i64, kind = #tpu.reduction_kind<sum>} : vector<16xi1> -> vector<16xi32>
      %add3A_100 = arith.addi %scan3A_71, %all_reduce_population_count3A : vector<16xi32>
      %get3A_101 = arith.index_cast %scan3A_70 : i32 to index
      %get3A_102 = arith.constant 16 : index
      %get3A_103 = tpu.vector_load %arg19[%get3A_101, %get3A_102] {strides = array<i32>} : memref<80x128xi32, #tpu.memory_space<vmem>>, vector<16xi32>,
      %get3A_104 = arith.index_cast %scan3A_70 : i32 to index
      %get3A_105 = arith.constant 16 : index
      %get3A_106 = tpu.vector_load %arg20[%get3A_104, %get3A_105] {strides = array<i32>} : memref<80x128xf32, #tpu.memory_space<vmem>>, vector<16xf32>,
      %gather3A_107 = tpu.vector_load_idx %arg12[%get3A_103] : memref<10240xi32, #tpu.memory_space<vmem>>[vector<16xi32>], vector<16xi32>,
      tpu.vector_store_idx %arg14[%gather3A_107], %get3A_106 {add = true} : memref<2688xf32, #tpu.memory_space<vmem>>[vector<16xi32>], vector<16xf32>,
      %lt3A_108 = arith.constant 2560 : i32
      %lt3A_109 = vector.broadcast %lt3A_108 : i32 to vector<16xi32>
      %lt3A_110 = arith.cmpi slt, %gather3A_107, %lt3A_109 : vector<16xi32>
      %convert_element_type3A_111 = arith.extui %lt3A_110 : vector<16xi1> to vector<16xi32>
      %broadcast_in_dim3A_112 = arith.constant true
      %broadcast_in_dim3A_113 = vector.broadcast %broadcast_in_dim3A_112 : i1 to vector<16xi1>
      %masked_cumsum3A_114 = tpu.scan <sum>, %convert_element_type3A_111 masked %broadcast_in_dim3A_113 : vector<16xi32>, vector<16xi1> -> vector<16xi32>
      %add3A_115 = arith.addi %add3A_100, %masked_cumsum3A_114 : vector<16xi32>
      %sub3A_116 = arith.constant 1 : i32
      %sub3A_117 = vector.broadcast %sub3A_116 : i32 to vector<16xi32>
      %sub3A_118 = arith.subi %add3A_115, %sub3A_117 : vector<16xi32>
      %shift_right_logical3A_119 = arith.constant 7 : i32
      %shift_right_logical3A_120 = vector.broadcast %shift_right_logical3A_119 : i32 to vector<16xi32>
      %shift_right_logical3A_121 = arith.shrui %sub3A_118, %shift_right_logical3A_120 : vector<16xi32>
      %and3A_122 = arith.constant 127 : i32
      %and3A_123 = vector.broadcast %and3A_122 : i32 to vector<16xi32>
      %and3A_124 = arith.andi %sub3A_118, %and3A_123 : vector<16xi32>
      %add3A_125 = arith.addi %mul3A_2, %scan3A_70 : i32
      %mul3A_126 = arith.constant 128 : i32
      %mul3A_127 = arith.muli %add3A_125, %mul3A_126 : i32
      %add3A_128 = arith.constant 16 : i32
      %add3A_129 = arith.addi %mul3A_127, %add3A_128 : i32
      %add3A_130 = vector.broadcast %add3A_129 : i32 to vector<16xi32>
      %add3A_131 = arith.addi %add3A_130, %iota3A : vector<16xi32>
      %shift_right_logical3A_132 = arith.constant 5 : i32
      %shift_right_logical3A_133 = vector.broadcast %shift_right_logical3A_132 : i32 to vector<16xi32>
      %shift_right_logical3A_134 = arith.shrui %add3A_131, %shift_right_logical3A_133 : vector<16xi32>
      tpu.vector_store_idx %arg15[%shift_right_logical3A_121, %and3A_124], %gather3A_107 masked %lt3A_110 : memref<80x128xi32, #tpu.memory_space<vmem>>[vector<16xi32>, vector<16xi32>], vector<16xi32>, vector<16xi1>
      tpu.vector_store_idx %arg16[%sub3A_118], %shift_right_logical3A_134 masked %lt3A_110 : memref<10240xi32, #tpu.memory_space<vmem>>[vector<16xi32>], vector<16xi32>, vector<16xi1>
      tpu.vector_store_idx %arg17[%sub3A_118], %get3A_106 masked %lt3A_110 : memref<10240xf32, #tpu.memory_space<vmem>>[vector<16xi32>], vector<16xf32>, vector<16xi1>
      %all_reduce_population_count3A_135 = tpu.all_reduce %lt3A_110 {dim = 0 : i64, kind = #tpu.reduction_kind<sum>} : vector<16xi1> -> vector<16xi32>
      %add3A_136 = arith.addi %add3A_100, %all_reduce_population_count3A_135 : vector<16xi32>
      %get3A_137 = arith.index_cast %scan3A_70 : i32 to index
      %get3A_138 = arith.constant 32 : index
      %get3A_139 = tpu.vector_load %arg19[%get3A_137, %get3A_138] {strides = array<i32>} : memref<80x128xi32, #tpu.memory_space<vmem>>, vector<16xi32>,
      %get3A_140 = arith.index_cast %scan3A_70 : i32 to index
      %get3A_141 = arith.constant 32 : index
      %get3A_142 = tpu.vector_load %arg20[%get3A_140, %get3A_141] {strides = array<i32>} : memref<80x128xf32, #tpu.memory_space<vmem>>, vector<16xf32>,
      %gather3A_143 = tpu.vector_load_idx %arg12[%get3A_139] : memref<10240xi32, #tpu.memory_space<vmem>>[vector<16xi32>], vector<16xi32>,
      tpu.vector_store_idx %arg14[%gather3A_143], %get3A_142 {add = true} : memref<2688xf32, #tpu.memory_space<vmem>>[vector<16xi32>], vector<16xf32>,
      %lt3A_144 = arith.constant 2560 : i32
      %lt3A_145 = vector.broadcast %lt3A_144 : i32 to vector<16xi32>
      %lt3A_146 = arith.cmpi slt, %gather3A_143, %lt3A_145 : vector<16xi32>
      %convert_element_type3A_147 = arith.extui %lt3A_146 : vector<16xi1> to vector<16xi32>
      %broadcast_in_dim3A_148 = arith.constant true
      %broadcast_in_dim3A_149 = vector.broadcast %broadcast_in_dim3A_148 : i1 to vector<16xi1>
      %masked_cumsum3A_150 = tpu.scan <sum>, %convert_element_type3A_147 masked %broadcast_in_dim3A_149 : vector<16xi32>, vector<16xi1> -> vector<16xi32>
      %add3A_151 = arith.addi %add3A_136, %masked_cumsum3A_150 : vector<16xi32>
      %sub3A_152 = arith.constant 1 : i32
      %sub3A_153 = vector.broadcast %sub3A_152 : i32 to vector<16xi32>
      %sub3A_154 = arith.subi %add3A_151, %sub3A_153 : vector<16xi32>
      %shift_right_logical3A_155 = arith.constant 7 : i32
      %shift_right_logical3A_156 = vector.broadcast %shift_right_logical3A_155 : i32 to vector<16xi32>
      %shift_right_logical3A_157 = arith.shrui %sub3A_154, %shift_right_logical3A_156 : vector<16xi32>
      %and3A_158 = arith.constant 127 : i32
      %and3A_159 = vector.broadcast %and3A_158 : i32 to vector<16xi32>
      %and3A_160 = arith.andi %sub3A_154, %and3A_159 : vector<16xi32>
      %add3A_161 = arith.addi %mul3A_2, %scan3A_70 : i32
      %mul3A_162 = arith.constant 128 : i32
      %mul3A_163 = arith.muli %add3A_161, %mul3A_162 : i32
      %add3A_164 = arith.constant 32 : i32
      %add3A_165 = arith.addi %mul3A_163, %add3A_164 : i32
      %add3A_166 = vector.broadcast %add3A_165 : i32 to vector<16xi32>
      %add3A_167 = arith.addi %add3A_166, %iota3A : vector<16xi32>
      %shift_right_logical3A_168 = arith.constant 5 : i32
      %shift_right_logical3A_169 = vector.broadcast %shift_right_logical3A_168 : i32 to vector<16xi32>
      %shift_right_logical3A_170 = arith.shrui %add3A_167, %shift_right_logical3A_169 : vector<16xi32>
      tpu.vector_store_idx %arg15[%shift_right_logical3A_157, %and3A_160], %gather3A_143 masked %lt3A_146 : memref<80x128xi32, #tpu.memory_space<vmem>>[vector<16xi32>, vector<16xi32>], vector<16xi32>, vector<16xi1>
      tpu.vector_store_idx %arg16[%sub3A_154], %shift_right_logical3A_170 masked %lt3A_146 : memref<10240xi32, #tpu.memory_space<vmem>>[vector<16xi32>], vector<16xi32>, vector<16xi1>
      tpu.vector_store_idx %arg17[%sub3A_154], %get3A_142 masked %lt3A_146 : memref<10240xf32, #tpu.memory_space<vmem>>[vector<16xi32>], vector<16xf32>, vector<16xi1>
      %all_reduce_population_count3A_171 = tpu.all_reduce %lt3A_146 {dim = 0 : i64, kind = #tpu.reduction_kind<sum>} : vector<16xi1> -> vector<16xi32>
      %add3A_172 = arith.addi %add3A_136, %all_reduce_population_count3A_171 : vector<16xi32>
      %get3A_173 = arith.index_cast %scan3A_70 : i32 to index
      %get3A_174 = arith.constant 48 : index
      %get3A_175 = tpu.vector_load %arg19[%get3A_173, %get3A_174] {strides = array<i32>} : memref<80x128xi32, #tpu.memory_space<vmem>>, vector<16xi32>,
      %get3A_176 = arith.index_cast %scan3A_70 : i32 to index
      %get3A_177 = arith.constant 48 : index
      %get3A_178 = tpu.vector_load %arg20[%get3A_176, %get3A_177] {strides = array<i32>} : memref<80x128xf32, #tpu.memory_space<vmem>>, vector<16xf32>,
      %gather3A_179 = tpu.vector_load_idx %arg12[%get3A_175] : memref<10240xi32, #tpu.memory_space<vmem>>[vector<16xi32>], vector<16xi32>,
      tpu.vector_store_idx %arg14[%gather3A_179], %get3A_178 {add = true} : memref<2688xf32, #tpu.memory_space<vmem>>[vector<16xi32>], vector<16xf32>,
      %lt3A_180 = arith.constant 2560 : i32
      %lt3A_181 = vector.broadcast %lt3A_180 : i32 to vector<16xi32>
      %lt3A_182 = arith.cmpi slt, %gather3A_179, %lt3A_181 : vector<16xi32>
      %convert_element_type3A_183 = arith.extui %lt3A_182 : vector<16xi1> to vector<16xi32>
      %broadcast_in_dim3A_184 = arith.constant true
      %broadcast_in_dim3A_185 = vector.broadcast %broadcast_in_dim3A_184 : i1 to vector<16xi1>
      %masked_cumsum3A_186 = tpu.scan <sum>, %convert_element_type3A_183 masked %broadcast_in_dim3A_185 : vector<16xi32>, vector<16xi1> -> vector<16xi32>
      %add3A_187 = arith.addi %add3A_172, %masked_cumsum3A_186 : vector<16xi32>
      %sub3A_188 = arith.constant 1 : i32
      %sub3A_189 = vector.broadcast %sub3A_188 : i32 to vector<16xi32>
      %sub3A_190 = arith.subi %add3A_187, %sub3A_189 : vector<16xi32>
      %shift_right_logical3A_191 = arith.constant 7 : i32
      %shift_right_logical3A_192 = vector.broadcast %shift_right_logical3A_191 : i32 to vector<16xi32>
      %shift_right_logical3A_193 = arith.shrui %sub3A_190, %shift_right_logical3A_192 : vector<16xi32>
      %and3A_194 = arith.constant 127 : i32
      %and3A_195 = vector.broadcast %and3A_194 : i32 to vector<16xi32>
      %and3A_196 = arith.andi %sub3A_190, %and3A_195 : vector<16xi32>
      %add3A_197 = arith.addi %mul3A_2, %scan3A_70 : i32
      %mul3A_198 = arith.constant 128 : i32
      %mul3A_199 = arith.muli %add3A_197, %mul3A_198 : i32
      %add3A_200 = arith.constant 48 : i32
      %add3A_201 = arith.addi %mul3A_199, %add3A_200 : i32
      %add3A_202 = vector.broadcast %add3A_201 : i32 to vector<16xi32>
      %add3A_203 = arith.addi %add3A_202, %iota3A : vector<16xi32>
      %shift_right_logical3A_204 = arith.constant 5 : i32
      %shift_right_logical3A_205 = vector.broadcast %shift_right_logical3A_204 : i32 to vector<16xi32>
      %shift_right_logical3A_206 = arith.shrui %add3A_203, %shift_right_logical3A_205 : vector<16xi32>
      tpu.vector_store_idx %arg15[%shift_right_logical3A_193, %and3A_196], %gather3A_179 masked %lt3A_182 : memref<80x128xi32, #tpu.memory_space<vmem>>[vector<16xi32>, vector<16xi32>], vector<16xi32>, vector<16xi1>
      tpu.vector_store_idx %arg16[%sub3A_190], %shift_right_logical3A_206 masked %lt3A_182 : memref<10240xi32, #tpu.memory_space<vmem>>[vector<16xi32>], vector<16xi32>, vector<16xi1>
      tpu.vector_store_idx %arg17[%sub3A_190], %get3A_178 masked %lt3A_182 : memref<10240xf32, #tpu.memory_space<vmem>>[vector<16xi32>], vector<16xf32>, vector<16xi1>
      %all_reduce_population_count3A_207 = tpu.all_reduce %lt3A_182 {dim = 0 : i64, kind = #tpu.reduction_kind<sum>} : vector<16xi1> -> vector<16xi32>
      %add3A_208 = arith.addi %add3A_172, %all_reduce_population_count3A_207 : vector<16xi32>
      %get3A_209 = arith.index_cast %scan3A_70 : i32 to index
      %get3A_210 = arith.constant 64 : index
      %get3A_211 = tpu.vector_load %arg19[%get3A_209, %get3A_210] {strides = array<i32>} : memref<80x128xi32, #tpu.memory_space<vmem>>, vector<16xi32>,
      %get3A_212 = arith.index_cast %scan3A_70 : i32 to index
      %get3A_213 = arith.constant 64 : index
      %get3A_214 = tpu.vector_load %arg20[%get3A_212, %get3A_213] {strides = array<i32>} : memref<80x128xf32, #tpu.memory_space<vmem>>, vector<16xf32>,
      %gather3A_215 = tpu.vector_load_idx %arg12[%get3A_211] : memref<10240xi32, #tpu.memory_space<vmem>>[vector<16xi32>], vector<16xi32>,
      tpu.vector_store_idx %arg14[%gather3A_215], %get3A_214 {add = true} : memref<2688xf32, #tpu.memory_space<vmem>>[vector<16xi32>], vector<16xf32>,
      %lt3A_216 = arith.constant 2560 : i32
      %lt3A_217 = vector.broadcast %lt3A_216 : i32 to vector<16xi32>
      %lt3A_218 = arith.cmpi slt, %gather3A_215, %lt3A_217 : vector<16xi32>
      %convert_element_type3A_219 = arith.extui %lt3A_218 : vector<16xi1> to vector<16xi32>
      %broadcast_in_dim3A_220 = arith.constant true
      %broadcast_in_dim3A_221 = vector.broadcast %broadcast_in_dim3A_220 : i1 to vector<16xi1>
      %masked_cumsum3A_222 = tpu.scan <sum>, %convert_element_type3A_219 masked %broadcast_in_dim3A_221 : vector<16xi32>, vector<16xi1> -> vector<16xi32>
      %add3A_223 = arith.addi %add3A_208, %masked_cumsum3A_222 : vector<16xi32>
      %sub3A_224 = arith.constant 1 : i32
      %sub3A_225 = vector.broadcast %sub3A_224 : i32 to vector<16xi32>
      %sub3A_226 = arith.subi %add3A_223, %sub3A_225 : vector<16xi32>
      %shift_right_logical3A_227 = arith.constant 7 : i32
      %shift_right_logical3A_228 = vector.broadcast %shift_right_logical3A_227 : i32 to vector<16xi32>
      %shift_right_logical3A_229 = arith.shrui %sub3A_226, %shift_right_logical3A_228 : vector<16xi32>
      %and3A_230 = arith.constant 127 : i32
      %and3A_231 = vector.broadcast %and3A_230 : i32 to vector<16xi32>
      %and3A_232 = arith.andi %sub3A_226, %and3A_231 : vector<16xi32>
      %add3A_233 = arith.addi %mul3A_2, %scan3A_70 : i32
      %mul3A_234 = arith.constant 128 : i32
      %mul3A_235 = arith.muli %add3A_233, %mul3A_234 : i32
      %add3A_236 = arith.constant 64 : i32
      %add3A_237 = arith.addi %mul3A_235, %add3A_236 : i32
      %add3A_238 = vector.broadcast %add3A_237 : i32 to vector<16xi32>
      %add3A_239 = arith.addi %add3A_238, %iota3A : vector<16xi32>
      %shift_right_logical3A_240 = arith.constant 5 : i32
      %shift_right_logical3A_241 = vector.broadcast %shift_right_logical3A_240 : i32 to vector<16xi32>
      %shift_right_logical3A_242 = arith.shrui %add3A_239, %shift_right_logical3A_241 : vector<16xi32>
      tpu.vector_store_idx %arg15[%shift_right_logical3A_229, %and3A_232], %gather3A_215 masked %lt3A_218 : memref<80x128xi32, #tpu.memory_space<vmem>>[vector<16xi32>, vector<16xi32>], vector<16xi32>, vector<16xi1>
      tpu.vector_store_idx %arg16[%sub3A_226], %shift_right_logical3A_242 masked %lt3A_218 : memref<10240xi32, #tpu.memory_space<vmem>>[vector<16xi32>], vector<16xi32>, vector<16xi1>
      tpu.vector_store_idx %arg17[%sub3A_226], %get3A_214 masked %lt3A_218 : memref<10240xf32, #tpu.memory_space<vmem>>[vector<16xi32>], vector<16xf32>, vector<16xi1>
      %all_reduce_population_count3A_243 = tpu.all_reduce %lt3A_218 {dim = 0 : i64, kind = #tpu.reduction_kind<sum>} : vector<16xi1> -> vector<16xi32>
      %add3A_244 = arith.addi %add3A_208, %all_reduce_population_count3A_243 : vector<16xi32>
      %get3A_245 = arith.index_cast %scan3A_70 : i32 to index
      %get3A_246 = arith.constant 80 : index
      %get3A_247 = tpu.vector_load %arg19[%get3A_245, %get3A_246] {strides = array<i32>} : memref<80x128xi32, #tpu.memory_space<vmem>>, vector<16xi32>,
      %get3A_248 = arith.index_cast %scan3A_70 : i32 to index
      %get3A_249 = arith.constant 80 : index
      %get3A_250 = tpu.vector_load %arg20[%get3A_248, %get3A_249] {strides = array<i32>} : memref<80x128xf32, #tpu.memory_space<vmem>>, vector<16xf32>,
      %gather3A_251 = tpu.vector_load_idx %arg12[%get3A_247] : memref<10240xi32, #tpu.memory_space<vmem>>[vector<16xi32>], vector<16xi32>,
      tpu.vector_store_idx %arg14[%gather3A_251], %get3A_250 {add = true} : memref<2688xf32, #tpu.memory_space<vmem>>[vector<16xi32>], vector<16xf32>,
      %lt3A_252 = arith.constant 2560 : i32
      %lt3A_253 = vector.broadcast %lt3A_252 : i32 to vector<16xi32>
      %lt3A_254 = arith.cmpi slt, %gather3A_251, %lt3A_253 : vector<16xi32>
      %convert_element_type3A_255 = arith.extui %lt3A_254 : vector<16xi1> to vector<16xi32>
      %broadcast_in_dim3A_256 = arith.constant true
      %broadcast_in_dim3A_257 = vector.broadcast %broadcast_in_dim3A_256 : i1 to vector<16xi1>
      %masked_cumsum3A_258 = tpu.scan <sum>, %convert_element_type3A_255 masked %broadcast_in_dim3A_257 : vector<16xi32>, vector<16xi1> -> vector<16xi32>
      %add3A_259 = arith.addi %add3A_244, %masked_cumsum3A_258 : vector<16xi32>
      %sub3A_260 = arith.constant 1 : i32
      %sub3A_261 = vector.broadcast %sub3A_260 : i32 to vector<16xi32>
      %sub3A_262 = arith.subi %add3A_259, %sub3A_261 : vector<16xi32>
      %shift_right_logical3A_263 = arith.constant 7 : i32
      %shift_right_logical3A_264 = vector.broadcast %shift_right_logical3A_263 : i32 to vector<16xi32>
      %shift_right_logical3A_265 = arith.shrui %sub3A_262, %shift_right_logical3A_264 : vector<16xi32>
      %and3A_266 = arith.constant 127 : i32
      %and3A_267 = vector.broadcast %and3A_266 : i32 to vector<16xi32>
      %and3A_268 = arith.andi %sub3A_262, %and3A_267 : vector<16xi32>
      %add3A_269 = arith.addi %mul3A_2, %scan3A_70 : i32
      %mul3A_270 = arith.constant 128 : i32
      %mul3A_271 = arith.muli %add3A_269, %mul3A_270 : i32
      %add3A_272 = arith.constant 80 : i32
      %add3A_273 = arith.addi %mul3A_271, %add3A_272 : i32
      %add3A_274 = vector.broadcast %add3A_273 : i32 to vector<16xi32>
      %add3A_275 = arith.addi %add3A_274, %iota3A : vector<16xi32>
      %shift_right_logical3A_276 = arith.constant 5 : i32
      %shift_right_logical3A_277 = vector.broadcast %shift_right_logical3A_276 : i32 to vector<16xi32>
      %shift_right_logical3A_278 = arith.shrui %add3A_275, %shift_right_logical3A_277 : vector<16xi32>
      tpu.vector_store_idx %arg15[%shift_right_logical3A_265, %and3A_268], %gather3A_251 masked %lt3A_254 : memref<80x128xi32, #tpu.memory_space<vmem>>[vector<16xi32>, vector<16xi32>], vector<16xi32>, vector<16xi1>
      tpu.vector_store_idx %arg16[%sub3A_262], %shift_right_logical3A_278 masked %lt3A_254 : memref<10240xi32, #tpu.memory_space<vmem>>[vector<16xi32>], vector<16xi32>, vector<16xi1>
      tpu.vector_store_idx %arg17[%sub3A_262], %get3A_250 masked %lt3A_254 : memref<10240xf32, #tpu.memory_space<vmem>>[vector<16xi32>], vector<16xf32>, vector<16xi1>
      %all_reduce_population_count3A_279 = tpu.all_reduce %lt3A_254 {dim = 0 : i64, kind = #tpu.reduction_kind<sum>} : vector<16xi1> -> vector<16xi32>
      %add3A_280 = arith.addi %add3A_244, %all_reduce_population_count3A_279 : vector<16xi32>
      %get3A_281 = arith.index_cast %scan3A_70 : i32 to index
      %get3A_282 = arith.constant 96 : index
      %get3A_283 = tpu.vector_load %arg19[%get3A_281, %get3A_282] {strides = array<i32>} : memref<80x128xi32, #tpu.memory_space<vmem>>, vector<16xi32>,
      %get3A_284 = arith.index_cast %scan3A_70 : i32 to index
      %get3A_285 = arith.constant 96 : index
      %get3A_286 = tpu.vector_load %arg20[%get3A_284, %get3A_285] {strides = array<i32>} : memref<80x128xf32, #tpu.memory_space<vmem>>, vector<16xf32>,
      %gather3A_287 = tpu.vector_load_idx %arg12[%get3A_283] : memref<10240xi32, #tpu.memory_space<vmem>>[vector<16xi32>], vector<16xi32>,
      tpu.vector_store_idx %arg14[%gather3A_287], %get3A_286 {add = true} : memref<2688xf32, #tpu.memory_space<vmem>>[vector<16xi32>], vector<16xf32>,
      %lt3A_288 = arith.constant 2560 : i32
      %lt3A_289 = vector.broadcast %lt3A_288 : i32 to vector<16xi32>
      %lt3A_290 = arith.cmpi slt, %gather3A_287, %lt3A_289 : vector<16xi32>
      %convert_element_type3A_291 = arith.extui %lt3A_290 : vector<16xi1> to vector<16xi32>
      %broadcast_in_dim3A_292 = arith.constant true
      %broadcast_in_dim3A_293 = vector.broadcast %broadcast_in_dim3A_292 : i1 to vector<16xi1>
      %masked_cumsum3A_294 = tpu.scan <sum>, %convert_element_type3A_291 masked %broadcast_in_dim3A_293 : vector<16xi32>, vector<16xi1> -> vector<16xi32>
      %add3A_295 = arith.addi %add3A_280, %masked_cumsum3A_294 : vector<16xi32>
      %sub3A_296 = arith.constant 1 : i32
      %sub3A_297 = vector.broadcast %sub3A_296 : i32 to vector<16xi32>
      %sub3A_298 = arith.subi %add3A_295, %sub3A_297 : vector<16xi32>
      %shift_right_logical3A_299 = arith.constant 7 : i32
      %shift_right_logical3A_300 = vector.broadcast %shift_right_logical3A_299 : i32 to vector<16xi32>
      %shift_right_logical3A_301 = arith.shrui %sub3A_298, %shift_right_logical3A_300 : vector<16xi32>
      %and3A_302 = arith.constant 127 : i32
      %and3A_303 = vector.broadcast %and3A_302 : i32 to vector<16xi32>
      %and3A_304 = arith.andi %sub3A_298, %and3A_303 : vector<16xi32>
      %add3A_305 = arith.addi %mul3A_2, %scan3A_70 : i32
      %mul3A_306 = arith.constant 128 : i32
      %mul3A_307 = arith.muli %add3A_305, %mul3A_306 : i32
      %add3A_308 = arith.constant 96 : i32
      %add3A_309 = arith.addi %mul3A_307, %add3A_308 : i32
      %add3A_310 = vector.broadcast %add3A_309 : i32 to vector<16xi32>
      %add3A_311 = arith.addi %add3A_310, %iota3A : vector<16xi32>
      %shift_right_logical3A_312 = arith.constant 5 : i32
      %shift_right_logical3A_313 = vector.broadcast %shift_right_logical3A_312 : i32 to vector<16xi32>
      %shift_right_logical3A_314 = arith.shrui %add3A_311, %shift_right_logical3A_313 : vector<16xi32>
      tpu.vector_store_idx %arg15[%shift_right_logical3A_301, %and3A_304], %gather3A_287 masked %lt3A_290 : memref<80x128xi32, #tpu.memory_space<vmem>>[vector<16xi32>, vector<16xi32>], vector<16xi32>, vector<16xi1>
      tpu.vector_store_idx %arg16[%sub3A_298], %shift_right_logical3A_314 masked %lt3A_290 : memref<10240xi32, #tpu.memory_space<vmem>>[vector<16xi32>], vector<16xi32>, vector<16xi1>
      tpu.vector_store_idx %arg17[%sub3A_298], %get3A_286 masked %lt3A_290 : memref<10240xf32, #tpu.memory_space<vmem>>[vector<16xi32>], vector<16xf32>, vector<16xi1>
      %all_reduce_population_count3A_315 = tpu.all_reduce %lt3A_290 {dim = 0 : i64, kind = #tpu.reduction_kind<sum>} : vector<16xi1> -> vector<16xi32>
      %add3A_316 = arith.addi %add3A_280, %all_reduce_population_count3A_315 : vector<16xi32>
      %get3A_317 = arith.index_cast %scan3A_70 : i32 to index
      %get3A_318 = arith.constant 112 : index
      %get3A_319 = tpu.vector_load %arg19[%get3A_317, %get3A_318] {strides = array<i32>} : memref<80x128xi32, #tpu.memory_space<vmem>>, vector<16xi32>,
      %get3A_320 = arith.index_cast %scan3A_70 : i32 to index
      %get3A_321 = arith.constant 112 : index
      %get3A_322 = tpu.vector_load %arg20[%get3A_320, %get3A_321] {strides = array<i32>} : memref<80x128xf32, #tpu.memory_space<vmem>>, vector<16xf32>,
      %gather3A_323 = tpu.vector_load_idx %arg12[%get3A_319] : memref<10240xi32, #tpu.memory_space<vmem>>[vector<16xi32>], vector<16xi32>,
      tpu.vector_store_idx %arg14[%gather3A_323], %get3A_322 {add = true} : memref<2688xf32, #tpu.memory_space<vmem>>[vector<16xi32>], vector<16xf32>,
      %lt3A_324 = arith.constant 2560 : i32
      %lt3A_325 = vector.broadcast %lt3A_324 : i32 to vector<16xi32>
      %lt3A_326 = arith.cmpi slt, %gather3A_323, %lt3A_325 : vector<16xi32>
      %convert_element_type3A_327 = arith.extui %lt3A_326 : vector<16xi1> to vector<16xi32>
      %broadcast_in_dim3A_328 = arith.constant true
      %broadcast_in_dim3A_329 = vector.broadcast %broadcast_in_dim3A_328 : i1 to vector<16xi1>
      %masked_cumsum3A_330 = tpu.scan <sum>, %convert_element_type3A_327 masked %broadcast_in_dim3A_329 : vector<16xi32>, vector<16xi1> -> vector<16xi32>
      %add3A_331 = arith.addi %add3A_316, %masked_cumsum3A_330 : vector<16xi32>
      %sub3A_332 = arith.constant 1 : i32
      %sub3A_333 = vector.broadcast %sub3A_332 : i32 to vector<16xi32>
      %sub3A_334 = arith.subi %add3A_331, %sub3A_333 : vector<16xi32>
      %shift_right_logical3A_335 = arith.constant 7 : i32
      %shift_right_logical3A_336 = vector.broadcast %shift_right_logical3A_335 : i32 to vector<16xi32>
      %shift_right_logical3A_337 = arith.shrui %sub3A_334, %shift_right_logical3A_336 : vector<16xi32>
      %and3A_338 = arith.constant 127 : i32
      %and3A_339 = vector.broadcast %and3A_338 : i32 to vector<16xi32>
      %and3A_340 = arith.andi %sub3A_334, %and3A_339 : vector<16xi32>
      %add3A_341 = arith.addi %mul3A_2, %scan3A_70 : i32
      %mul3A_342 = arith.constant 128 : i32
      %mul3A_343 = arith.muli %add3A_341, %mul3A_342 : i32
      %add3A_344 = arith.constant 112 : i32
      %add3A_345 = arith.addi %mul3A_343, %add3A_344 : i32
      %add3A_346 = vector.broadcast %add3A_345 : i32 to vector<16xi32>
      %add3A_347 = arith.addi %add3A_346, %iota3A : vector<16xi32>
      %shift_right_logical3A_348 = arith.constant 5 : i32
      %shift_right_logical3A_349 = vector.broadcast %shift_right_logical3A_348 : i32 to vector<16xi32>
      %shift_right_logical3A_350 = arith.shrui %add3A_347, %shift_right_logical3A_349 : vector<16xi32>
      tpu.vector_store_idx %arg15[%shift_right_logical3A_337, %and3A_340], %gather3A_323 masked %lt3A_326 : memref<80x128xi32, #tpu.memory_space<vmem>>[vector<16xi32>, vector<16xi32>], vector<16xi32>, vector<16xi1>
      tpu.vector_store_idx %arg16[%sub3A_334], %shift_right_logical3A_350 masked %lt3A_326 : memref<10240xi32, #tpu.memory_space<vmem>>[vector<16xi32>], vector<16xi32>, vector<16xi1>
      tpu.vector_store_idx %arg17[%sub3A_334], %get3A_322 masked %lt3A_326 : memref<10240xf32, #tpu.memory_space<vmem>>[vector<16xi32>], vector<16xf32>, vector<16xi1>
      %all_reduce_population_count3A_351 = tpu.all_reduce %lt3A_326 {dim = 0 : i64, kind = #tpu.reduction_kind<sum>} : vector<16xi1> -> vector<16xi32>
      %add3A_352 = arith.addi %add3A_316, %all_reduce_population_count3A_351 : vector<16xi32>
      scf.yield %add3A_352 : vector<16xi32>
    }
    %scan3A_37 = arith.constant 80 : i32
    %reduce_max3A = arith.constant true
    %reduce_max3A_38 = vector.broadcast %reduce_max3A : i1 to vector<16xi1>
    %reduce_max3A_39 = arith.constant -2147483648 : i32
    %reduce_max3A_40 = vector.broadcast %reduce_max3A_39 : i32 to vector<16xi32>
    %reduce_max3A_41 = arith.xori %scan3A_36, %reduce_max3A_40 : vector<16xi32>
    %reduce_max3A_42 = tpu.scan <max>, %reduce_max3A_41 masked %reduce_max3A_38 : vector<16xi32>, vector<16xi1> -> vector<16xi32>
    %reduce_max3A_43 = arith.xori %reduce_max3A_42, %reduce_max3A_40 : vector<16xi32>
    %reduce_max3A_44 = vector.extract %reduce_max3A_43[15] : i32 from vector<16xi32>
    %add3A_45 = arith.constant 127 : i32
    %add3A_46 = arith.addi %reduce_max3A_44, %add3A_45 : i32
    %shift_right_logical3A = arith.constant 7 : i32
    %shift_right_logical3A_47 = arith.shrui %add3A_46, %shift_right_logical3A : i32
    %gt3A = arith.constant 0 : i32
    %gt3A_48 = arith.cmpi sgt, %shift_right_logical3A_47, %gt3A : i32
    %convert_element_type3A = arith.extui %gt3A_48 : i1 to i32
    %cond3A = arith.constant 0 : i32
    %cond3A_49 = arith.cmpi ne, %convert_element_type3A, %cond3A : i32
    scf.if %cond3A_49 {
      %dma_start3A = arith.constant 0 : i32
      %dma_start3A_70 = arith.constant 0 : i32
      %dma_start3A_71 = arith.constant 0 : i32
      %dma_start3A_72 = arith.constant 0 : i32
      %dma_start3A_73 = tpu.memref_slice %arg18[%dma_start3A, %dma_start3A_71, %dma_start3A_72] : memref<2x128x128xf32, #tpu.memory_space<vmem>> -> memref<1x128x128xf32, #tpu.memory_space<vmem>>
      %dma_start3A_74 = tpu.memref_squeeze %dma_start3A_73 : memref<1x128x128xf32, #tpu.memory_space<vmem>> -> memref<128x128xf32, #tpu.memory_space<vmem>>
      %dma_start3A_75 = arith.constant 0 : i32
      %dma_start3A_76 = tpu.memref_slice %arg16[%dma_start3A_75] : memref<10240xi32, #tpu.memory_space<vmem>> -> memref<128xi32, #tpu.memory_space<vmem>>
      %dma_start3A_77 = arith.constant 0 : i32
      %dma_start3A_78 = arith.constant 0 : i32
      %dma_start3A_79 = tpu.memref_slice %arg2[%dma_start3A_77, %dma_start3A_78] : memref<10240x128xf32, #tpu.memory_space<hbm>> -> memref<10240x128xf32, #tpu.memory_space<hbm>>
      %dma_start3A_80 = tpu.memref_slice %arg22[%dma_start3A_70] : memref<2x!tpu.dma_semaphore, #tpu.memory_space<semaphore_mem>> -> memref<1x!tpu.dma_semaphore, #tpu.memory_space<semaphore_mem>>
      %dma_start3A_81 = tpu.memref_squeeze %dma_start3A_80 : memref<1x!tpu.dma_semaphore, #tpu.memory_space<semaphore_mem>> -> memref<!tpu.dma_semaphore, #tpu.memory_space<semaphore_mem>>
      tpu.enqueue_indirect_dma source(%dma_start3A_79 : memref<10240x128xf32, #tpu.memory_space<hbm>>) target(%dma_start3A_74 : memref<128x128xf32, #tpu.memory_space<vmem>>) offsets(%dma_start3A_76 : memref<128xi32, #tpu.memory_space<vmem>>) semaphore(%dma_start3A_81 : memref<!tpu.dma_semaphore, #tpu.memory_space<semaphore_mem>>)
    } else {
    }
    %gt3A_50 = arith.constant 1 : i32
    %gt3A_51 = arith.cmpi sgt, %shift_right_logical3A_47, %gt3A_50 : i32
    %convert_element_type3A_52 = arith.extui %gt3A_51 : i1 to i32
    %cond3A_53 = arith.constant 0 : i32
    %cond3A_54 = arith.cmpi ne, %convert_element_type3A_52, %cond3A_53 : i32
    scf.if %cond3A_54 {
      %dma_start3A = arith.constant 1 : i32
      %dma_start3A_70 = arith.constant 1 : i32
      %dma_start3A_71 = arith.constant 0 : i32
      %dma_start3A_72 = arith.constant 0 : i32
      %dma_start3A_73 = tpu.memref_slice %arg18[%dma_start3A, %dma_start3A_71, %dma_start3A_72] : memref<2x128x128xf32, #tpu.memory_space<vmem>> -> memref<1x128x128xf32, #tpu.memory_space<vmem>>
      %dma_start3A_74 = tpu.memref_squeeze %dma_start3A_73 : memref<1x128x128xf32, #tpu.memory_space<vmem>> -> memref<128x128xf32, #tpu.memory_space<vmem>>
      %dma_start3A_75 = arith.constant 128 : i32
      %dma_start3A_76 = tpu.memref_slice %arg16[%dma_start3A_75] : memref<10240xi32, #tpu.memory_space<vmem>> -> memref<128xi32, #tpu.memory_space<vmem>>
      %dma_start3A_77 = arith.constant 0 : i32
      %dma_start3A_78 = arith.constant 0 : i32
      %dma_start3A_79 = tpu.memref_slice %arg2[%dma_start3A_77, %dma_start3A_78] : memref<10240x128xf32, #tpu.memory_space<hbm>> -> memref<10240x128xf32, #tpu.memory_space<hbm>>
      %dma_start3A_80 = tpu.memref_slice %arg22[%dma_start3A_70] : memref<2x!tpu.dma_semaphore, #tpu.memory_space<semaphore_mem>> -> memref<1x!tpu.dma_semaphore, #tpu.memory_space<semaphore_mem>>
      %dma_start3A_81 = tpu.memref_squeeze %dma_start3A_80 : memref<1x!tpu.dma_semaphore, #tpu.memory_space<semaphore_mem>> -> memref<!tpu.dma_semaphore, #tpu.memory_space<semaphore_mem>>
      tpu.enqueue_indirect_dma source(%dma_start3A_79 : memref<10240x128xf32, #tpu.memory_space<hbm>>) target(%dma_start3A_74 : memref<128x128xf32, #tpu.memory_space<vmem>>) offsets(%dma_start3A_76 : memref<128xi32, #tpu.memory_space<vmem>>) semaphore(%dma_start3A_81 : memref<!tpu.dma_semaphore, #tpu.memory_space<semaphore_mem>>)
    } else {
    }
    %scan3A_55 = arith.constant 0 : i32
    %scan3A_56 = arith.constant 40 : i32
    %scan3A_57 = arith.addi %scan3A_55, %scan3A_56 : i32
    %scan3A_58 = arith.constant 1 : i32
    scf.for %scan3A_70 = %scan3A_55 to %scan3A_57 step %scan3A_58  : i32 {
      %mul3A_71 = arith.constant 2 : i32
      %mul3A_72 = arith.muli %scan3A_70, %mul3A_71 : i32
      %add3A_73 = arith.constant 0 : i32
      %add3A_74 = arith.addi %add3A_73, %mul3A_72 : i32
      %add3A_75 = arith.constant 0 : i32
      %add3A_76 = arith.addi %add3A_74, %add3A_75 : i32
      %lt3A = arith.cmpi slt, %add3A_76, %shift_right_logical3A_47 : i32
      %convert_element_type3A_77 = arith.extui %lt3A : i1 to i32
      %cond3A_78 = arith.constant 0 : i32
      %cond3A_79 = arith.cmpi ne, %convert_element_type3A_77, %cond3A_78 : i32
      scf.if %cond3A_79 {
        %mul3A_86 = arith.constant 128 : i32
        %mul3A_87 = arith.muli %add3A_76, %mul3A_86 : i32
        %dma_wait3A = arith.constant 0 : i32
        %dma_wait3A_88 = arith.constant 0 : i32
        %dma_wait3A_89 = arith.constant 0 : i32
        %dma_wait3A_90 = arith.constant 0 : i32
        %dma_wait3A_91 = tpu.memref_slice %arg18[%dma_wait3A, %dma_wait3A_89, %dma_wait3A_90] : memref<2x128x128xf32, #tpu.memory_space<vmem>> -> memref<1x128x128xf32, #tpu.memory_space<vmem>>
        %dma_wait3A_92 = tpu.memref_squeeze %dma_wait3A_91 : memref<1x128x128xf32, #tpu.memory_space<vmem>> -> memref<128x128xf32, #tpu.memory_space<vmem>>
        %dma_wait3A_93 = tpu.memref_slice %arg16[%mul3A_87] : memref<10240xi32, #tpu.memory_space<vmem>> -> memref<128xi32, #tpu.memory_space<vmem>>
        %dma_wait3A_94 = arith.constant 0 : i32
        %dma_wait3A_95 = arith.constant 0 : i32
        %dma_wait3A_96 = tpu.memref_slice %arg2[%dma_wait3A_94, %dma_wait3A_95] : memref<10240x128xf32, #tpu.memory_space<hbm>> -> memref<10240x128xf32, #tpu.memory_space<hbm>>
        %dma_wait3A_97 = tpu.memref_slice %arg22[%dma_wait3A_88] : memref<2x!tpu.dma_semaphore, #tpu.memory_space<semaphore_mem>> -> memref<1x!tpu.dma_semaphore, #tpu.memory_space<semaphore_mem>>
        %dma_wait3A_98 = tpu.memref_squeeze %dma_wait3A_97 : memref<1x!tpu.dma_semaphore, #tpu.memory_space<semaphore_mem>> -> memref<!tpu.dma_semaphore, #tpu.memory_space<semaphore_mem>>
        tpu.wait_indirect_dma semaphore(%dma_wait3A_98 : memref<!tpu.dma_semaphore, #tpu.memory_space<semaphore_mem>>) src(%dma_wait3A_96 : memref<10240x128xf32, #tpu.memory_space<hbm>>) dst(%dma_wait3A_92 : memref<128x128xf32, #tpu.memory_space<vmem>>)
        %scan3A_99 = arith.constant 0 : i32
        %scan3A_100 = arith.constant 128 : i32
        %scan3A_101 = arith.addi %scan3A_99, %scan3A_100 : i32
        %scan3A_102 = arith.constant 1 : i32
        scf.for %scan3A_110 = %scan3A_99 to %scan3A_101 step %scan3A_102  : i32 {
          %mul3A_111 = arith.constant 1 : i32
          %mul3A_112 = arith.muli %scan3A_110, %mul3A_111 : i32
          %add3A_113 = arith.constant 0 : i32
          %add3A_114 = arith.addi %add3A_113, %mul3A_112 : i32
          %mul3A_115 = arith.constant 128 : i32
          %mul3A_116 = arith.muli %add3A_76, %mul3A_115 : i32
          %add3A_117 = arith.addi %mul3A_116, %add3A_114 : i32
          %broadcast_in_dim3A_118 = vector.broadcast %add3A_117 : i32 to vector<16xi32>
          %gather3A = tpu.vector_load_idx %arg17[%broadcast_in_dim3A_118] : memref<10240xf32, #tpu.memory_space<vmem>>[vector<16xi32>], vector<16xf32>,
          %get3A = arith.constant 0 : i32
          %get3A_119 = arith.index_cast %get3A : i32 to index
          %get3A_120 = arith.index_cast %add3A_114 : i32 to index
          %get3A_121 = arith.constant 0 : index
          %get3A_122 = tpu.vector_load %arg18[%get3A_119, %get3A_120, %get3A_121] {strides = array<i32>} : memref<2x128x128xf32, #tpu.memory_space<vmem>>, vector<16xf32>,
          %mul3A_123 = arith.mulf %get3A_122, %gather3A : vector<16xf32>
          %swap3A = arith.constant 0 : i32
          %swap3A_124 = arith.index_cast %swap3A : i32 to index
          %swap3A_125 = arith.index_cast %add3A_114 : i32 to index
          %swap3A_126 = arith.constant 0 : index
          %swap3A_127 = tpu.vector_load %arg18[%swap3A_124, %swap3A_125, %swap3A_126] {strides = array<i32>} : memref<2x128x128xf32, #tpu.memory_space<vmem>>, vector<16xf32>,
          tpu.vector_store %arg18[%swap3A_124, %swap3A_125, %swap3A_126], %mul3A_123 {strides = array<i32>} : memref<2x128x128xf32, #tpu.memory_space<vmem>>, vector<16xf32>,
          %get3A_128 = arith.constant 0 : i32
          %get3A_129 = arith.index_cast %get3A_128 : i32 to index
          %get3A_130 = arith.index_cast %add3A_114 : i32 to index
          %get3A_131 = arith.constant 16 : index
          %get3A_132 = tpu.vector_load %arg18[%get3A_129, %get3A_130, %get3A_131] {strides = array<i32>} : memref<2x128x128xf32, #tpu.memory_space<vmem>>, vector<16xf32>,
          %mul3A_133 = arith.mulf %get3A_132, %gather3A : vector<16xf32>
          %swap3A_134 = arith.constant 0 : i32
          %swap3A_135 = arith.index_cast %swap3A_134 : i32 to index
          %swap3A_136 = arith.index_cast %add3A_114 : i32 to index
          %swap3A_137 = arith.constant 16 : index
          %swap3A_138 = tpu.vector_load %arg18[%swap3A_135, %swap3A_136, %swap3A_137] {strides = array<i32>} : memref<2x128x128xf32, #tpu.memory_space<vmem>>, vector<16xf32>,
          tpu.vector_store %arg18[%swap3A_135, %swap3A_136, %swap3A_137], %mul3A_133 {strides = array<i32>} : memref<2x128x128xf32, #tpu.memory_space<vmem>>, vector<16xf32>,
          %get3A_139 = arith.constant 0 : i32
          %get3A_140 = arith.index_cast %get3A_139 : i32 to index
          %get3A_141 = arith.index_cast %add3A_114 : i32 to index
          %get3A_142 = arith.constant 32 : index
          %get3A_143 = tpu.vector_load %arg18[%get3A_140, %get3A_141, %get3A_142] {strides = array<i32>} : memref<2x128x128xf32, #tpu.memory_space<vmem>>, vector<16xf32>,
          %mul3A_144 = arith.mulf %get3A_143, %gather3A : vector<16xf32>
          %swap3A_145 = arith.constant 0 : i32
          %swap3A_146 = arith.index_cast %swap3A_145 : i32 to index
          %swap3A_147 = arith.index_cast %add3A_114 : i32 to index
          %swap3A_148 = arith.constant 32 : index
          %swap3A_149 = tpu.vector_load %arg18[%swap3A_146, %swap3A_147, %swap3A_148] {strides = array<i32>} : memref<2x128x128xf32, #tpu.memory_space<vmem>>, vector<16xf32>,
          tpu.vector_store %arg18[%swap3A_146, %swap3A_147, %swap3A_148], %mul3A_144 {strides = array<i32>} : memref<2x128x128xf32, #tpu.memory_space<vmem>>, vector<16xf32>,
          %get3A_150 = arith.constant 0 : i32
          %get3A_151 = arith.index_cast %get3A_150 : i32 to index
          %get3A_152 = arith.index_cast %add3A_114 : i32 to index
          %get3A_153 = arith.constant 48 : index
          %get3A_154 = tpu.vector_load %arg18[%get3A_151, %get3A_152, %get3A_153] {strides = array<i32>} : memref<2x128x128xf32, #tpu.memory_space<vmem>>, vector<16xf32>,
          %mul3A_155 = arith.mulf %get3A_154, %gather3A : vector<16xf32>
          %swap3A_156 = arith.constant 0 : i32
          %swap3A_157 = arith.index_cast %swap3A_156 : i32 to index
          %swap3A_158 = arith.index_cast %add3A_114 : i32 to index
          %swap3A_159 = arith.constant 48 : index
          %swap3A_160 = tpu.vector_load %arg18[%swap3A_157, %swap3A_158, %swap3A_159] {strides = array<i32>} : memref<2x128x128xf32, #tpu.memory_space<vmem>>, vector<16xf32>,
          tpu.vector_store %arg18[%swap3A_157, %swap3A_158, %swap3A_159], %mul3A_155 {strides = array<i32>} : memref<2x128x128xf32, #tpu.memory_space<vmem>>, vector<16xf32>,
          %get3A_161 = arith.constant 0 : i32
          %get3A_162 = arith.index_cast %get3A_161 : i32 to index
          %get3A_163 = arith.index_cast %add3A_114 : i32 to index
          %get3A_164 = arith.constant 64 : index
          %get3A_165 = tpu.vector_load %arg18[%get3A_162, %get3A_163, %get3A_164] {strides = array<i32>} : memref<2x128x128xf32, #tpu.memory_space<vmem>>, vector<16xf32>,
          %mul3A_166 = arith.mulf %get3A_165, %gather3A : vector<16xf32>
          %swap3A_167 = arith.constant 0 : i32
          %swap3A_168 = arith.index_cast %swap3A_167 : i32 to index
          %swap3A_169 = arith.index_cast %add3A_114 : i32 to index
          %swap3A_170 = arith.constant 64 : index
          %swap3A_171 = tpu.vector_load %arg18[%swap3A_168, %swap3A_169, %swap3A_170] {strides = array<i32>} : memref<2x128x128xf32, #tpu.memory_space<vmem>>, vector<16xf32>,
          tpu.vector_store %arg18[%swap3A_168, %swap3A_169, %swap3A_170], %mul3A_166 {strides = array<i32>} : memref<2x128x128xf32, #tpu.memory_space<vmem>>, vector<16xf32>,
          %get3A_172 = arith.constant 0 : i32
          %get3A_173 = arith.index_cast %get3A_172 : i32 to index
          %get3A_174 = arith.index_cast %add3A_114 : i32 to index
          %get3A_175 = arith.constant 80 : index
          %get3A_176 = tpu.vector_load %arg18[%get3A_173, %get3A_174, %get3A_175] {strides = array<i32>} : memref<2x128x128xf32, #tpu.memory_space<vmem>>, vector<16xf32>,
          %mul3A_177 = arith.mulf %get3A_176, %gather3A : vector<16xf32>
          %swap3A_178 = arith.constant 0 : i32
          %swap3A_179 = arith.index_cast %swap3A_178 : i32 to index
          %swap3A_180 = arith.index_cast %add3A_114 : i32 to index
          %swap3A_181 = arith.constant 80 : index
          %swap3A_182 = tpu.vector_load %arg18[%swap3A_179, %swap3A_180, %swap3A_181] {strides = array<i32>} : memref<2x128x128xf32, #tpu.memory_space<vmem>>, vector<16xf32>,
          tpu.vector_store %arg18[%swap3A_179, %swap3A_180, %swap3A_181], %mul3A_177 {strides = array<i32>} : memref<2x128x128xf32, #tpu.memory_space<vmem>>, vector<16xf32>,
          %get3A_183 = arith.constant 0 : i32
          %get3A_184 = arith.index_cast %get3A_183 : i32 to index
          %get3A_185 = arith.index_cast %add3A_114 : i32 to index
          %get3A_186 = arith.constant 96 : index
          %get3A_187 = tpu.vector_load %arg18[%get3A_184, %get3A_185, %get3A_186] {strides = array<i32>} : memref<2x128x128xf32, #tpu.memory_space<vmem>>, vector<16xf32>,
          %mul3A_188 = arith.mulf %get3A_187, %gather3A : vector<16xf32>
          %swap3A_189 = arith.constant 0 : i32
          %swap3A_190 = arith.index_cast %swap3A_189 : i32 to index
          %swap3A_191 = arith.index_cast %add3A_114 : i32 to index
          %swap3A_192 = arith.constant 96 : index
          %swap3A_193 = tpu.vector_load %arg18[%swap3A_190, %swap3A_191, %swap3A_192] {strides = array<i32>} : memref<2x128x128xf32, #tpu.memory_space<vmem>>, vector<16xf32>,
          tpu.vector_store %arg18[%swap3A_190, %swap3A_191, %swap3A_192], %mul3A_188 {strides = array<i32>} : memref<2x128x128xf32, #tpu.memory_space<vmem>>, vector<16xf32>,
          %get3A_194 = arith.constant 0 : i32
          %get3A_195 = arith.index_cast %get3A_194 : i32 to index
          %get3A_196 = arith.index_cast %add3A_114 : i32 to index
          %get3A_197 = arith.constant 112 : index
          %get3A_198 = tpu.vector_load %arg18[%get3A_195, %get3A_196, %get3A_197] {strides = array<i32>} : memref<2x128x128xf32, #tpu.memory_space<vmem>>, vector<16xf32>,
          %mul3A_199 = arith.mulf %get3A_198, %gather3A : vector<16xf32>
          %swap3A_200 = arith.constant 0 : i32
          %swap3A_201 = arith.index_cast %swap3A_200 : i32 to index
          %swap3A_202 = arith.index_cast %add3A_114 : i32 to index
          %swap3A_203 = arith.constant 112 : index
          %swap3A_204 = tpu.vector_load %arg18[%swap3A_201, %swap3A_202, %swap3A_203] {strides = array<i32>} : memref<2x128x128xf32, #tpu.memory_space<vmem>>, vector<16xf32>,
          tpu.vector_store %arg18[%swap3A_201, %swap3A_202, %swap3A_203], %mul3A_199 {strides = array<i32>} : memref<2x128x128xf32, #tpu.memory_space<vmem>>, vector<16xf32>,
        }
        %scan3A_103 = arith.constant 128 : i32
        %run_scoped3A = arith.constant 0 : i32
        "tpu.region"() ({
          %run_scoped3A_110 = tpu.sem_alloc : memref<!tpu.dma_semaphore, #tpu.memory_space<semaphore_mem>>
          %dma_start3A = arith.constant 0 : i32
          %dma_start3A_111 = arith.constant 0 : i32
          %dma_start3A_112 = tpu.memref_slice %arg18[%run_scoped3A, %dma_start3A, %dma_start3A_111] : memref<2x128x128xf32, #tpu.memory_space<vmem>> -> memref<1x128x128xf32, #tpu.memory_space<vmem>>
          %dma_start3A_113 = tpu.memref_squeeze %dma_start3A_112 : memref<1x128x128xf32, #tpu.memory_space<vmem>> -> memref<128x128xf32, #tpu.memory_space<vmem>>
          %dma_start3A_114 = arith.constant 0 : i32
          %dma_start3A_115 = tpu.memref_slice %arg15[%add3A_76, %dma_start3A_114] : memref<80x128xi32, #tpu.memory_space<vmem>> -> memref<1x128xi32, #tpu.memory_space<vmem>>
          %dma_start3A_116 = tpu.memref_squeeze %dma_start3A_115 : memref<1x128xi32, #tpu.memory_space<vmem>> -> memref<128xi32, #tpu.memory_space<vmem>>
          %dma_start3A_117 = arith.constant 0 : i32
          %dma_start3A_118 = arith.constant 0 : i32
          %dma_start3A_119 = tpu.memref_slice %arg11[%dma_start3A_117, %dma_start3A_118] : memref<2688x128xf32, #tpu.memory_space<vmem_shared>> -> memref<2688x128xf32, #tpu.memory_space<vmem_shared>>
          tpu.enqueue_indirect_dma source(%dma_start3A_113 : memref<128x128xf32, #tpu.memory_space<vmem>>) target(%dma_start3A_119 : memref<2688x128xf32, #tpu.memory_space<vmem_shared>>) offsets(%dma_start3A_116 : memref<128xi32, #tpu.memory_space<vmem>>) semaphore(%run_scoped3A_110 : memref<!tpu.dma_semaphore, #tpu.memory_space<semaphore_mem>>) {add = true}
          %dma_wait3A_120 = arith.constant 0 : i32
          %dma_wait3A_121 = arith.constant 0 : i32
          %dma_wait3A_122 = tpu.memref_slice %arg18[%run_scoped3A, %dma_wait3A_120, %dma_wait3A_121] : memref<2x128x128xf32, #tpu.memory_space<vmem>> -> memref<1x128x128xf32, #tpu.memory_space<vmem>>
          %dma_wait3A_123 = tpu.memref_squeeze %dma_wait3A_122 : memref<1x128x128xf32, #tpu.memory_space<vmem>> -> memref<128x128xf32, #tpu.memory_space<vmem>>
          %dma_wait3A_124 = arith.constant 0 : i32
          %dma_wait3A_125 = tpu.memref_slice %arg15[%add3A_76, %dma_wait3A_124] : memref<80x128xi32, #tpu.memory_space<vmem>> -> memref<1x128xi32, #tpu.memory_space<vmem>>
          %dma_wait3A_126 = tpu.memref_squeeze %dma_wait3A_125 : memref<1x128xi32, #tpu.memory_space<vmem>> -> memref<128xi32, #tpu.memory_space<vmem>>
          %dma_wait3A_127 = arith.constant 0 : i32
          %dma_wait3A_128 = arith.constant 0 : i32
          %dma_wait3A_129 = tpu.memref_slice %arg11[%dma_wait3A_127, %dma_wait3A_128] : memref<2688x128xf32, #tpu.memory_space<vmem_shared>> -> memref<2688x128xf32, #tpu.memory_space<vmem_shared>>
          tpu.wait_indirect_dma semaphore(%run_scoped3A_110 : memref<!tpu.dma_semaphore, #tpu.memory_space<semaphore_mem>>) src(%dma_wait3A_123 : memref<128x128xf32, #tpu.memory_space<vmem>>) dst(%dma_wait3A_129 : memref<2688x128xf32, #tpu.memory_space<vmem_shared>>)
          tpu.yield
        }) : () -> ()
        %add3A_104 = arith.constant 2 : i32
        %add3A_105 = arith.addi %add3A_76, %add3A_104 : i32
        %lt3A_106 = arith.cmpi slt, %add3A_105, %shift_right_logical3A_47 : i32
        %convert_element_type3A_107 = arith.extui %lt3A_106 : i1 to i32
        %cond3A_108 = arith.constant 0 : i32
        %cond3A_109 = arith.cmpi ne, %convert_element_type3A_107, %cond3A_108 : i32
        scf.if %cond3A_109 {
          %add3A_110 = arith.constant 2 : i32
          %add3A_111 = arith.addi %add3A_76, %add3A_110 : i32
          %mul3A_112 = arith.constant 128 : i32
          %mul3A_113 = arith.muli %add3A_111, %mul3A_112 : i32
          %dma_start3A = arith.constant 0 : i32
          %dma_start3A_114 = arith.constant 0 : i32
          %dma_start3A_115 = arith.constant 0 : i32
          %dma_start3A_116 = arith.constant 0 : i32
          %dma_start3A_117 = tpu.memref_slice %arg18[%dma_start3A, %dma_start3A_115, %dma_start3A_116] : memref<2x128x128xf32, #tpu.memory_space<vmem>> -> memref<1x128x128xf32, #tpu.memory_space<vmem>>
          %dma_start3A_118 = tpu.memref_squeeze %dma_start3A_117 : memref<1x128x128xf32, #tpu.memory_space<vmem>> -> memref<128x128xf32, #tpu.memory_space<vmem>>
          %dma_start3A_119 = tpu.memref_slice %arg16[%mul3A_113] : memref<10240xi32, #tpu.memory_space<vmem>> -> memref<128xi32, #tpu.memory_space<vmem>>
          %dma_start3A_120 = arith.constant 0 : i32
          %dma_start3A_121 = arith.constant 0 : i32
          %dma_start3A_122 = tpu.memref_slice %arg2[%dma_start3A_120, %dma_start3A_121] : memref<10240x128xf32, #tpu.memory_space<hbm>> -> memref<10240x128xf32, #tpu.memory_space<hbm>>
          %dma_start3A_123 = tpu.memref_slice %arg22[%dma_start3A_114] : memref<2x!tpu.dma_semaphore, #tpu.memory_space<semaphore_mem>> -> memref<1x!tpu.dma_semaphore, #tpu.memory_space<semaphore_mem>>
          %dma_start3A_124 = tpu.memref_squeeze %dma_start3A_123 : memref<1x!tpu.dma_semaphore, #tpu.memory_space<semaphore_mem>> -> memref<!tpu.dma_semaphore, #tpu.memory_space<semaphore_mem>>
          tpu.enqueue_indirect_dma source(%dma_start3A_122 : memref<10240x128xf32, #tpu.memory_space<hbm>>) target(%dma_start3A_118 : memref<128x128xf32, #tpu.memory_space<vmem>>) offsets(%dma_start3A_119 : memref<128xi32, #tpu.memory_space<vmem>>) semaphore(%dma_start3A_124 : memref<!tpu.dma_semaphore, #tpu.memory_space<semaphore_mem>>)
        } else {
        }
      } else {
      }
      %add3A_80 = arith.constant 1 : i32
      %add3A_81 = arith.addi %add3A_74, %add3A_80 : i32
      %lt3A_82 = arith.cmpi slt, %add3A_81, %shift_right_logical3A_47 : i32
      %convert_element_type3A_83 = arith.extui %lt3A_82 : i1 to i32
      %cond3A_84 = arith.constant 0 : i32
      %cond3A_85 = arith.cmpi ne, %convert_element_type3A_83, %cond3A_84 : i32
      scf.if %cond3A_85 {
        %mul3A_86 = arith.constant 128 : i32
        %mul3A_87 = arith.muli %add3A_81, %mul3A_86 : i32
        %dma_wait3A = arith.constant 1 : i32
        %dma_wait3A_88 = arith.constant 1 : i32
        %dma_wait3A_89 = arith.constant 0 : i32
        %dma_wait3A_90 = arith.constant 0 : i32
        %dma_wait3A_91 = tpu.memref_slice %arg18[%dma_wait3A, %dma_wait3A_89, %dma_wait3A_90] : memref<2x128x128xf32, #tpu.memory_space<vmem>> -> memref<1x128x128xf32, #tpu.memory_space<vmem>>
        %dma_wait3A_92 = tpu.memref_squeeze %dma_wait3A_91 : memref<1x128x128xf32, #tpu.memory_space<vmem>> -> memref<128x128xf32, #tpu.memory_space<vmem>>
        %dma_wait3A_93 = tpu.memref_slice %arg16[%mul3A_87] : memref<10240xi32, #tpu.memory_space<vmem>> -> memref<128xi32, #tpu.memory_space<vmem>>
        %dma_wait3A_94 = arith.constant 0 : i32
        %dma_wait3A_95 = arith.constant 0 : i32
        %dma_wait3A_96 = tpu.memref_slice %arg2[%dma_wait3A_94, %dma_wait3A_95] : memref<10240x128xf32, #tpu.memory_space<hbm>> -> memref<10240x128xf32, #tpu.memory_space<hbm>>
        %dma_wait3A_97 = tpu.memref_slice %arg22[%dma_wait3A_88] : memref<2x!tpu.dma_semaphore, #tpu.memory_space<semaphore_mem>> -> memref<1x!tpu.dma_semaphore, #tpu.memory_space<semaphore_mem>>
        %dma_wait3A_98 = tpu.memref_squeeze %dma_wait3A_97 : memref<1x!tpu.dma_semaphore, #tpu.memory_space<semaphore_mem>> -> memref<!tpu.dma_semaphore, #tpu.memory_space<semaphore_mem>>
        tpu.wait_indirect_dma semaphore(%dma_wait3A_98 : memref<!tpu.dma_semaphore, #tpu.memory_space<semaphore_mem>>) src(%dma_wait3A_96 : memref<10240x128xf32, #tpu.memory_space<hbm>>) dst(%dma_wait3A_92 : memref<128x128xf32, #tpu.memory_space<vmem>>)
        %scan3A_99 = arith.constant 0 : i32
        %scan3A_100 = arith.constant 128 : i32
        %scan3A_101 = arith.addi %scan3A_99, %scan3A_100 : i32
        %scan3A_102 = arith.constant 1 : i32
        scf.for %scan3A_110 = %scan3A_99 to %scan3A_101 step %scan3A_102  : i32 {
          %mul3A_111 = arith.constant 1 : i32
          %mul3A_112 = arith.muli %scan3A_110, %mul3A_111 : i32
          %add3A_113 = arith.constant 0 : i32
          %add3A_114 = arith.addi %add3A_113, %mul3A_112 : i32
          %mul3A_115 = arith.constant 128 : i32
          %mul3A_116 = arith.muli %add3A_81, %mul3A_115 : i32
          %add3A_117 = arith.addi %mul3A_116, %add3A_114 : i32
          %broadcast_in_dim3A_118 = vector.broadcast %add3A_117 : i32 to vector<16xi32>
          %gather3A = tpu.vector_load_idx %arg17[%broadcast_in_dim3A_118] : memref<10240xf32, #tpu.memory_space<vmem>>[vector<16xi32>], vector<16xf32>,
          %get3A = arith.constant 1 : i32
          %get3A_119 = arith.index_cast %get3A : i32 to index
          %get3A_120 = arith.index_cast %add3A_114 : i32 to index
          %get3A_121 = arith.constant 0 : index
          %get3A_122 = tpu.vector_load %arg18[%get3A_119, %get3A_120, %get3A_121] {strides = array<i32>} : memref<2x128x128xf32, #tpu.memory_space<vmem>>, vector<16xf32>,
          %mul3A_123 = arith.mulf %get3A_122, %gather3A : vector<16xf32>
          %swap3A = arith.constant 1 : i32
          %swap3A_124 = arith.index_cast %swap3A : i32 to index
          %swap3A_125 = arith.index_cast %add3A_114 : i32 to index
          %swap3A_126 = arith.constant 0 : index
          %swap3A_127 = tpu.vector_load %arg18[%swap3A_124, %swap3A_125, %swap3A_126] {strides = array<i32>} : memref<2x128x128xf32, #tpu.memory_space<vmem>>, vector<16xf32>,
          tpu.vector_store %arg18[%swap3A_124, %swap3A_125, %swap3A_126], %mul3A_123 {strides = array<i32>} : memref<2x128x128xf32, #tpu.memory_space<vmem>>, vector<16xf32>,
          %get3A_128 = arith.constant 1 : i32
          %get3A_129 = arith.index_cast %get3A_128 : i32 to index
          %get3A_130 = arith.index_cast %add3A_114 : i32 to index
          %get3A_131 = arith.constant 16 : index
          %get3A_132 = tpu.vector_load %arg18[%get3A_129, %get3A_130, %get3A_131] {strides = array<i32>} : memref<2x128x128xf32, #tpu.memory_space<vmem>>, vector<16xf32>,
          %mul3A_133 = arith.mulf %get3A_132, %gather3A : vector<16xf32>
          %swap3A_134 = arith.constant 1 : i32
          %swap3A_135 = arith.index_cast %swap3A_134 : i32 to index
          %swap3A_136 = arith.index_cast %add3A_114 : i32 to index
          %swap3A_137 = arith.constant 16 : index
          %swap3A_138 = tpu.vector_load %arg18[%swap3A_135, %swap3A_136, %swap3A_137] {strides = array<i32>} : memref<2x128x128xf32, #tpu.memory_space<vmem>>, vector<16xf32>,
          tpu.vector_store %arg18[%swap3A_135, %swap3A_136, %swap3A_137], %mul3A_133 {strides = array<i32>} : memref<2x128x128xf32, #tpu.memory_space<vmem>>, vector<16xf32>,
          %get3A_139 = arith.constant 1 : i32
          %get3A_140 = arith.index_cast %get3A_139 : i32 to index
          %get3A_141 = arith.index_cast %add3A_114 : i32 to index
          %get3A_142 = arith.constant 32 : index
          %get3A_143 = tpu.vector_load %arg18[%get3A_140, %get3A_141, %get3A_142] {strides = array<i32>} : memref<2x128x128xf32, #tpu.memory_space<vmem>>, vector<16xf32>,
          %mul3A_144 = arith.mulf %get3A_143, %gather3A : vector<16xf32>
          %swap3A_145 = arith.constant 1 : i32
          %swap3A_146 = arith.index_cast %swap3A_145 : i32 to index
          %swap3A_147 = arith.index_cast %add3A_114 : i32 to index
          %swap3A_148 = arith.constant 32 : index
          %swap3A_149 = tpu.vector_load %arg18[%swap3A_146, %swap3A_147, %swap3A_148] {strides = array<i32>} : memref<2x128x128xf32, #tpu.memory_space<vmem>>, vector<16xf32>,
          tpu.vector_store %arg18[%swap3A_146, %swap3A_147, %swap3A_148], %mul3A_144 {strides = array<i32>} : memref<2x128x128xf32, #tpu.memory_space<vmem>>, vector<16xf32>,
          %get3A_150 = arith.constant 1 : i32
          %get3A_151 = arith.index_cast %get3A_150 : i32 to index
          %get3A_152 = arith.index_cast %add3A_114 : i32 to index
          %get3A_153 = arith.constant 48 : index
          %get3A_154 = tpu.vector_load %arg18[%get3A_151, %get3A_152, %get3A_153] {strides = array<i32>} : memref<2x128x128xf32, #tpu.memory_space<vmem>>, vector<16xf32>,
          %mul3A_155 = arith.mulf %get3A_154, %gather3A : vector<16xf32>
          %swap3A_156 = arith.constant 1 : i32
          %swap3A_157 = arith.index_cast %swap3A_156 : i32 to index
          %swap3A_158 = arith.index_cast %add3A_114 : i32 to index
          %swap3A_159 = arith.constant 48 : index
          %swap3A_160 = tpu.vector_load %arg18[%swap3A_157, %swap3A_158, %swap3A_159] {strides = array<i32>} : memref<2x128x128xf32, #tpu.memory_space<vmem>>, vector<16xf32>,
          tpu.vector_store %arg18[%swap3A_157, %swap3A_158, %swap3A_159], %mul3A_155 {strides = array<i32>} : memref<2x128x128xf32, #tpu.memory_space<vmem>>, vector<16xf32>,
          %get3A_161 = arith.constant 1 : i32
          %get3A_162 = arith.index_cast %get3A_161 : i32 to index
          %get3A_163 = arith.index_cast %add3A_114 : i32 to index
          %get3A_164 = arith.constant 64 : index
          %get3A_165 = tpu.vector_load %arg18[%get3A_162, %get3A_163, %get3A_164] {strides = array<i32>} : memref<2x128x128xf32, #tpu.memory_space<vmem>>, vector<16xf32>,
          %mul3A_166 = arith.mulf %get3A_165, %gather3A : vector<16xf32>
          %swap3A_167 = arith.constant 1 : i32
          %swap3A_168 = arith.index_cast %swap3A_167 : i32 to index
          %swap3A_169 = arith.index_cast %add3A_114 : i32 to index
          %swap3A_170 = arith.constant 64 : index
          %swap3A_171 = tpu.vector_load %arg18[%swap3A_168, %swap3A_169, %swap3A_170] {strides = array<i32>} : memref<2x128x128xf32, #tpu.memory_space<vmem>>, vector<16xf32>,
          tpu.vector_store %arg18[%swap3A_168, %swap3A_169, %swap3A_170], %mul3A_166 {strides = array<i32>} : memref<2x128x128xf32, #tpu.memory_space<vmem>>, vector<16xf32>,
          %get3A_172 = arith.constant 1 : i32
          %get3A_173 = arith.index_cast %get3A_172 : i32 to index
          %get3A_174 = arith.index_cast %add3A_114 : i32 to index
          %get3A_175 = arith.constant 80 : index
          %get3A_176 = tpu.vector_load %arg18[%get3A_173, %get3A_174, %get3A_175] {strides = array<i32>} : memref<2x128x128xf32, #tpu.memory_space<vmem>>, vector<16xf32>,
          %mul3A_177 = arith.mulf %get3A_176, %gather3A : vector<16xf32>
          %swap3A_178 = arith.constant 1 : i32
          %swap3A_179 = arith.index_cast %swap3A_178 : i32 to index
          %swap3A_180 = arith.index_cast %add3A_114 : i32 to index
          %swap3A_181 = arith.constant 80 : index
          %swap3A_182 = tpu.vector_load %arg18[%swap3A_179, %swap3A_180, %swap3A_181] {strides = array<i32>} : memref<2x128x128xf32, #tpu.memory_space<vmem>>, vector<16xf32>,
          tpu.vector_store %arg18[%swap3A_179, %swap3A_180, %swap3A_181], %mul3A_177 {strides = array<i32>} : memref<2x128x128xf32, #tpu.memory_space<vmem>>, vector<16xf32>,
          %get3A_183 = arith.constant 1 : i32
          %get3A_184 = arith.index_cast %get3A_183 : i32 to index
          %get3A_185 = arith.index_cast %add3A_114 : i32 to index
          %get3A_186 = arith.constant 96 : index
          %get3A_187 = tpu.vector_load %arg18[%get3A_184, %get3A_185, %get3A_186] {strides = array<i32>} : memref<2x128x128xf32, #tpu.memory_space<vmem>>, vector<16xf32>,
          %mul3A_188 = arith.mulf %get3A_187, %gather3A : vector<16xf32>
          %swap3A_189 = arith.constant 1 : i32
          %swap3A_190 = arith.index_cast %swap3A_189 : i32 to index
          %swap3A_191 = arith.index_cast %add3A_114 : i32 to index
          %swap3A_192 = arith.constant 96 : index
          %swap3A_193 = tpu.vector_load %arg18[%swap3A_190, %swap3A_191, %swap3A_192] {strides = array<i32>} : memref<2x128x128xf32, #tpu.memory_space<vmem>>, vector<16xf32>,
          tpu.vector_store %arg18[%swap3A_190, %swap3A_191, %swap3A_192], %mul3A_188 {strides = array<i32>} : memref<2x128x128xf32, #tpu.memory_space<vmem>>, vector<16xf32>,
          %get3A_194 = arith.constant 1 : i32
          %get3A_195 = arith.index_cast %get3A_194 : i32 to index
          %get3A_196 = arith.index_cast %add3A_114 : i32 to index
          %get3A_197 = arith.constant 112 : index
          %get3A_198 = tpu.vector_load %arg18[%get3A_195, %get3A_196, %get3A_197] {strides = array<i32>} : memref<2x128x128xf32, #tpu.memory_space<vmem>>, vector<16xf32>,
          %mul3A_199 = arith.mulf %get3A_198, %gather3A : vector<16xf32>
          %swap3A_200 = arith.constant 1 : i32
          %swap3A_201 = arith.index_cast %swap3A_200 : i32 to index
          %swap3A_202 = arith.index_cast %add3A_114 : i32 to index
          %swap3A_203 = arith.constant 112 : index
          %swap3A_204 = tpu.vector_load %arg18[%swap3A_201, %swap3A_202, %swap3A_203] {strides = array<i32>} : memref<2x128x128xf32, #tpu.memory_space<vmem>>, vector<16xf32>,
          tpu.vector_store %arg18[%swap3A_201, %swap3A_202, %swap3A_203], %mul3A_199 {strides = array<i32>} : memref<2x128x128xf32, #tpu.memory_space<vmem>>, vector<16xf32>,
        }
        %scan3A_103 = arith.constant 128 : i32
        %run_scoped3A = arith.constant 1 : i32
        "tpu.region"() ({
          %run_scoped3A_110 = tpu.sem_alloc : memref<!tpu.dma_semaphore, #tpu.memory_space<semaphore_mem>>
          %dma_start3A = arith.constant 0 : i32
          %dma_start3A_111 = arith.constant 0 : i32
          %dma_start3A_112 = tpu.memref_slice %arg18[%run_scoped3A, %dma_start3A, %dma_start3A_111] : memref<2x128x128xf32, #tpu.memory_space<vmem>> -> memref<1x128x128xf32, #tpu.memory_space<vmem>>
          %dma_start3A_113 = tpu.memref_squeeze %dma_start3A_112 : memref<1x128x128xf32, #tpu.memory_space<vmem>> -> memref<128x128xf32, #tpu.memory_space<vmem>>
          %dma_start3A_114 = arith.constant 0 : i32
          %dma_start3A_115 = tpu.memref_slice %arg15[%add3A_81, %dma_start3A_114] : memref<80x128xi32, #tpu.memory_space<vmem>> -> memref<1x128xi32, #tpu.memory_space<vmem>>
          %dma_start3A_116 = tpu.memref_squeeze %dma_start3A_115 : memref<1x128xi32, #tpu.memory_space<vmem>> -> memref<128xi32, #tpu.memory_space<vmem>>
          %dma_start3A_117 = arith.constant 0 : i32
          %dma_start3A_118 = arith.constant 0 : i32
          %dma_start3A_119 = tpu.memref_slice %arg11[%dma_start3A_117, %dma_start3A_118] : memref<2688x128xf32, #tpu.memory_space<vmem_shared>> -> memref<2688x128xf32, #tpu.memory_space<vmem_shared>>
          tpu.enqueue_indirect_dma source(%dma_start3A_113 : memref<128x128xf32, #tpu.memory_space<vmem>>) target(%dma_start3A_119 : memref<2688x128xf32, #tpu.memory_space<vmem_shared>>) offsets(%dma_start3A_116 : memref<128xi32, #tpu.memory_space<vmem>>) semaphore(%run_scoped3A_110 : memref<!tpu.dma_semaphore, #tpu.memory_space<semaphore_mem>>) {add = true}
          %dma_wait3A_120 = arith.constant 0 : i32
          %dma_wait3A_121 = arith.constant 0 : i32
          %dma_wait3A_122 = tpu.memref_slice %arg18[%run_scoped3A, %dma_wait3A_120, %dma_wait3A_121] : memref<2x128x128xf32, #tpu.memory_space<vmem>> -> memref<1x128x128xf32, #tpu.memory_space<vmem>>
          %dma_wait3A_123 = tpu.memref_squeeze %dma_wait3A_122 : memref<1x128x128xf32, #tpu.memory_space<vmem>> -> memref<128x128xf32, #tpu.memory_space<vmem>>
          %dma_wait3A_124 = arith.constant 0 : i32
          %dma_wait3A_125 = tpu.memref_slice %arg15[%add3A_81, %dma_wait3A_124] : memref<80x128xi32, #tpu.memory_space<vmem>> -> memref<1x128xi32, #tpu.memory_space<vmem>>
          %dma_wait3A_126 = tpu.memref_squeeze %dma_wait3A_125 : memref<1x128xi32, #tpu.memory_space<vmem>> -> memref<128xi32, #tpu.memory_space<vmem>>
          %dma_wait3A_127 = arith.constant 0 : i32
          %dma_wait3A_128 = arith.constant 0 : i32
          %dma_wait3A_129 = tpu.memref_slice %arg11[%dma_wait3A_127, %dma_wait3A_128] : memref<2688x128xf32, #tpu.memory_space<vmem_shared>> -> memref<2688x128xf32, #tpu.memory_space<vmem_shared>>
          tpu.wait_indirect_dma semaphore(%run_scoped3A_110 : memref<!tpu.dma_semaphore, #tpu.memory_space<semaphore_mem>>) src(%dma_wait3A_123 : memref<128x128xf32, #tpu.memory_space<vmem>>) dst(%dma_wait3A_129 : memref<2688x128xf32, #tpu.memory_space<vmem_shared>>)
          tpu.yield
        }) : () -> ()
        %add3A_104 = arith.constant 2 : i32
        %add3A_105 = arith.addi %add3A_81, %add3A_104 : i32
        %lt3A_106 = arith.cmpi slt, %add3A_105, %shift_right_logical3A_47 : i32
        %convert_element_type3A_107 = arith.extui %lt3A_106 : i1 to i32
        %cond3A_108 = arith.constant 0 : i32
        %cond3A_109 = arith.cmpi ne, %convert_element_type3A_107, %cond3A_108 : i32
        scf.if %cond3A_109 {
          %add3A_110 = arith.constant 2 : i32
          %add3A_111 = arith.addi %add3A_81, %add3A_110 : i32
          %mul3A_112 = arith.constant 128 : i32
          %mul3A_113 = arith.muli %add3A_111, %mul3A_112 : i32
          %dma_start3A = arith.constant 1 : i32
          %dma_start3A_114 = arith.constant 1 : i32
          %dma_start3A_115 = arith.constant 0 : i32
          %dma_start3A_116 = arith.constant 0 : i32
          %dma_start3A_117 = tpu.memref_slice %arg18[%dma_start3A, %dma_start3A_115, %dma_start3A_116] : memref<2x128x128xf32, #tpu.memory_space<vmem>> -> memref<1x128x128xf32, #tpu.memory_space<vmem>>
          %dma_start3A_118 = tpu.memref_squeeze %dma_start3A_117 : memref<1x128x128xf32, #tpu.memory_space<vmem>> -> memref<128x128xf32, #tpu.memory_space<vmem>>
          %dma_start3A_119 = tpu.memref_slice %arg16[%mul3A_113] : memref<10240xi32, #tpu.memory_space<vmem>> -> memref<128xi32, #tpu.memory_space<vmem>>
          %dma_start3A_120 = arith.constant 0 : i32
          %dma_start3A_121 = arith.constant 0 : i32
          %dma_start3A_122 = tpu.memref_slice %arg2[%dma_start3A_120, %dma_start3A_121] : memref<10240x128xf32, #tpu.memory_space<hbm>> -> memref<10240x128xf32, #tpu.memory_space<hbm>>
          %dma_start3A_123 = tpu.memref_slice %arg22[%dma_start3A_114] : memref<2x!tpu.dma_semaphore, #tpu.memory_space<semaphore_mem>> -> memref<1x!tpu.dma_semaphore, #tpu.memory_space<semaphore_mem>>
          %dma_start3A_124 = tpu.memref_squeeze %dma_start3A_123 : memref<1x!tpu.dma_semaphore, #tpu.memory_space<semaphore_mem>> -> memref<!tpu.dma_semaphore, #tpu.memory_space<semaphore_mem>>
          tpu.enqueue_indirect_dma source(%dma_start3A_122 : memref<10240x128xf32, #tpu.memory_space<hbm>>) target(%dma_start3A_118 : memref<128x128xf32, #tpu.memory_space<vmem>>) offsets(%dma_start3A_119 : memref<128xi32, #tpu.memory_space<vmem>>) semaphore(%dma_start3A_124 : memref<!tpu.dma_semaphore, #tpu.memory_space<semaphore_mem>>)
        } else {
        }
      } else {
      }
    }
    %scan3A_59 = arith.constant 40 : i32
    %barrier3A_60 = arith.constant 0 : index
    tpu.barrier barrier_id(%barrier3A_60)
    %eq3A = arith.constant 0 : i32
    %eq3A_61 = arith.cmpi eq, %arg0, %eq3A : i32
    %convert_element_type3A_62 = arith.extui %eq3A_61 : i1 to i32
    %cond3A_63 = arith.constant 0 : i32
    %cond3A_64 = arith.cmpi ne, %convert_element_type3A_62, %cond3A_63 : i32
    scf.if %cond3A_64 {
      %mul3A_70 = arith.constant 160 : i32
      %mul3A_71 = arith.muli %arg1, %mul3A_70 : i32
      %mul3A_72 = arith.constant 160 : i32
      %mul3A_73 = arith.muli %arg1, %mul3A_72 : i32
      "tpu.region"() ({
        %run_scoped3A = tpu.sem_alloc : memref<!tpu.dma_semaphore, #tpu.memory_space<semaphore_mem>>
        %dma_start3A = arith.constant 0 : i32
        %dma_start3A_74 = tpu.memref_slice %arg7[%mul3A_73, %dma_start3A] : memref<2560x128xf32, #tpu.memory_space<hbm>> -> memref<160x128xf32, #tpu.memory_space<hbm>>
        %dma_start3A_75 = arith.constant 0 : i32
        %dma_start3A_76 = tpu.memref_slice %arg11[%mul3A_71, %dma_start3A_75] : memref<2688x128xf32, #tpu.memory_space<vmem_shared>> -> memref<160x128xf32, #tpu.memory_space<vmem_shared>>
        tpu.enqueue_dma source(%dma_start3A_76 : memref<160x128xf32, #tpu.memory_space<vmem_shared>>) target(%dma_start3A_74 : memref<160x128xf32, #tpu.memory_space<hbm>>) target_semaphore(%run_scoped3A : memref<!tpu.dma_semaphore, #tpu.memory_space<semaphore_mem>>)
        %dma_wait3A = arith.constant 0 : i32
        %dma_wait3A_77 = tpu.memref_slice %arg7[%mul3A_73, %dma_wait3A] : memref<2560x128xf32, #tpu.memory_space<hbm>> -> memref<160x128xf32, #tpu.memory_space<hbm>>
        %dma_wait3A_78 = arith.constant 0 : i32
        %dma_wait3A_79 = tpu.memref_slice %arg11[%mul3A_71, %dma_wait3A_78] : memref<2688x128xf32, #tpu.memory_space<vmem_shared>> -> memref<160x128xf32, #tpu.memory_space<vmem_shared>>
        tpu.wait_dma2 semaphore(%run_scoped3A : memref<!tpu.dma_semaphore, #tpu.memory_space<semaphore_mem>>) src(%dma_wait3A_79 : memref<160x128xf32, #tpu.memory_space<vmem_shared>>) dst(%dma_wait3A_77 : memref<160x128xf32, #tpu.memory_space<hbm>>)
        tpu.yield
      }) : () -> ()
    } else {
    }
    %eq3A_65 = arith.constant 1 : i32
    %eq3A_66 = arith.cmpi eq, %arg0, %eq3A_65 : i32
    %convert_element_type3A_67 = arith.extui %eq3A_66 : i1 to i32
    %cond3A_68 = arith.constant 0 : i32
    %cond3A_69 = arith.cmpi ne, %convert_element_type3A_67, %cond3A_68 : i32
    scf.if %cond3A_69 {
      %mul3A_70 = arith.constant 160 : i32
      %mul3A_71 = arith.muli %arg1, %mul3A_70 : i32
      %mul3A_72 = arith.constant 160 : i32
      %mul3A_73 = arith.muli %arg1, %mul3A_72 : i32
      "tpu.region"() ({
        %run_scoped3A = tpu.sem_alloc : memref<!tpu.dma_semaphore, #tpu.memory_space<semaphore_mem>>
        %dma_start3A = arith.constant 0 : i32
        %dma_start3A_74 = tpu.memref_slice %arg8[%mul3A_73, %dma_start3A] : memref<2560x128xf32, #tpu.memory_space<hbm>> -> memref<160x128xf32, #tpu.memory_space<hbm>>
        %dma_start3A_75 = arith.constant 0 : i32
        %dma_start3A_76 = tpu.memref_slice %arg11[%mul3A_71, %dma_start3A_75] : memref<2688x128xf32, #tpu.memory_space<vmem_shared>> -> memref<160x128xf32, #tpu.memory_space<vmem_shared>>
        tpu.enqueue_dma source(%dma_start3A_76 : memref<160x128xf32, #tpu.memory_space<vmem_shared>>) target(%dma_start3A_74 : memref<160x128xf32, #tpu.memory_space<hbm>>) target_semaphore(%run_scoped3A : memref<!tpu.dma_semaphore, #tpu.memory_space<semaphore_mem>>)
        %dma_wait3A = arith.constant 0 : i32
        %dma_wait3A_77 = tpu.memref_slice %arg8[%mul3A_73, %dma_wait3A] : memref<2560x128xf32, #tpu.memory_space<hbm>> -> memref<160x128xf32, #tpu.memory_space<hbm>>
        %dma_wait3A_78 = arith.constant 0 : i32
        %dma_wait3A_79 = tpu.memref_slice %arg11[%mul3A_71, %dma_wait3A_78] : memref<2688x128xf32, #tpu.memory_space<vmem_shared>> -> memref<160x128xf32, #tpu.memory_space<vmem_shared>>
        tpu.wait_dma2 semaphore(%run_scoped3A : memref<!tpu.dma_semaphore, #tpu.memory_space<semaphore_mem>>) src(%dma_wait3A_79 : memref<160x128xf32, #tpu.memory_space<vmem_shared>>) dst(%dma_wait3A_77 : memref<160x128xf32, #tpu.memory_space<hbm>>)
        tpu.yield
      }) : () -> ()
    } else {
    }
    "tpu.region"() ({
      %run_scoped3A = tpu.sem_alloc : memref<!tpu.dma_semaphore, #tpu.memory_space<semaphore_mem>>
      %dma_start3A = arith.constant 0 : i32
      %dma_start3A_70 = tpu.memref_slice %arg9[%arg0, %arg1, %dma_start3A] : memref<2x16x2688xf32, #tpu.memory_space<hbm>> -> memref<1x1x2688xf32, #tpu.memory_space<hbm>>
      %dma_start3A_71 = tpu.memref_squeeze %dma_start3A_70 : memref<1x1x2688xf32, #tpu.memory_space<hbm>> -> memref<2688xf32, #tpu.memory_space<hbm>>
      %dma_start3A_72 = arith.constant 0 : i32
      %dma_start3A_73 = tpu.memref_slice %arg9[%arg0, %arg1, %dma_start3A_72] : memref<2x16x2688xf32, #tpu.memory_space<hbm>> -> memref<1x1x2688xf32, #tpu.memory_space<hbm>>
      %dma_start3A_74 = tpu.memref_squeeze %dma_start3A_73 : memref<1x1x2688xf32, #tpu.memory_space<hbm>> -> memref<2688xf32, #tpu.memory_space<hbm>>
      tpu.enqueue_dma source(%arg14 : memref<2688xf32, #tpu.memory_space<vmem>>) target(%dma_start3A_74 : memref<2688xf32, #tpu.memory_space<hbm>>) target_semaphore(%run_scoped3A : memref<!tpu.dma_semaphore, #tpu.memory_space<semaphore_mem>>)
      %dma_wait3A = arith.constant 0 : i32
      %dma_wait3A_75 = tpu.memref_slice %arg9[%arg0, %arg1, %dma_wait3A] : memref<2x16x2688xf32, #tpu.memory_space<hbm>> -> memref<1x1x2688xf32, #tpu.memory_space<hbm>>
      %dma_wait3A_76 = tpu.memref_squeeze %dma_wait3A_75 : memref<1x1x2688xf32, #tpu.memory_space<hbm>> -> memref<2688xf32, #tpu.memory_space<hbm>>
      %dma_wait3A_77 = arith.constant 0 : i32
      %dma_wait3A_78 = tpu.memref_slice %arg9[%arg0, %arg1, %dma_wait3A_77] : memref<2x16x2688xf32, #tpu.memory_space<hbm>> -> memref<1x1x2688xf32, #tpu.memory_space<hbm>>
      %dma_wait3A_79 = tpu.memref_squeeze %dma_wait3A_78 : memref<1x1x2688xf32, #tpu.memory_space<hbm>> -> memref<2688xf32, #tpu.memory_space<hbm>>
      tpu.wait_dma2 semaphore(%run_scoped3A : memref<!tpu.dma_semaphore, #tpu.memory_space<semaphore_mem>>) src(%arg14 : memref<2688xf32, #tpu.memory_space<vmem>>) dst(%dma_wait3A_79 : memref<2688xf32, #tpu.memory_space<hbm>>)
      tpu.yield
    }) : () -> ()
    return
  }
}

module attributes {stable_mosaic.version = 14 : i64} {
  func.func @_norm_body(%arg0: memref<2560x128xf32, #tpu.memory_space<vmem>>, %arg1: memref<2560x128xf32, #tpu.memory_space<vmem>>, %arg2: memref<2560x1xf32, #tpu.memory_space<vmem>>, %arg3: memref<2560x128xf32, #tpu.memory_space<vmem>>) attributes {dimension_semantics = [], scalar_prefetch = 0 : i64, scratch_operands = 0 : i64, tpu.core_type = #tpu.core_type<tc>} {
    %get3A = arith.constant 0 : index
    %get3A_0 = arith.constant 0 : index
    %get3A_1 = vector.load %arg0[%get3A, %get3A_0] : memref<2560x128xf32, #tpu.memory_space<vmem>>, vector<2560x128xf32>
    %get3A_2 = arith.constant 0 : index
    %get3A_3 = arith.constant 0 : index
    %get3A_4 = vector.load %arg1[%get3A_2, %get3A_3] : memref<2560x128xf32, #tpu.memory_space<vmem>>, vector<2560x128xf32>
    %add3A = arith.addf %get3A_1, %get3A_4 : vector<2560x128xf32>
    %get3A_5 = arith.constant 0 : index
    %get3A_6 = arith.constant 0 : index
    %get3A_7 = vector.load %arg2[%get3A_5, %get3A_6] : memref<2560x1xf32, #tpu.memory_space<vmem>>, vector<2560x1xf32>
    %max3A = arith.constant 0.000000e+00 : f32
    %max3A_8 = vector.broadcast %max3A : f32 to vector<2560x1xf32>
    %max3A_9 = arith.maximumf %get3A_7, %max3A_8 : vector<2560x1xf32>
    %gt3A = arith.constant 0.000000e+00 : f32
    %gt3A_10 = vector.broadcast %gt3A : f32 to vector<2560x1xf32>
    %gt3A_11 = arith.cmpf ogt, %max3A_9, %gt3A_10 : vector<2560x1xf32>
    %jit3A = arith.constant 1.000000e-03 : f32
    %broadcast_in_dim3A = vector.broadcast %jit3A : f32 to vector<2560x1xf32>
    %select_n3A = arith.select %gt3A_11, %max3A_9, %broadcast_in_dim3A : vector<2560x1xi1>, vector<2560x1xf32>
    %div3A = vector.broadcast %select_n3A : vector<2560x1xf32> to vector<2560x128xf32>
    %div3A_12 = arith.divf %add3A, %div3A : vector<2560x128xf32>
    %swap3A = arith.constant 0 : index
    %swap3A_13 = arith.constant 0 : index
    %swap3A_14 = vector.load %arg3[%swap3A, %swap3A_13] : memref<2560x128xf32, #tpu.memory_space<vmem>>, vector<2560x128xf32>
    tpu.vector_store %arg3[%swap3A, %swap3A_13], %div3A_12 {strides = array<i32>} : memref<2560x128xf32, #tpu.memory_space<vmem>>, vector<2560x128xf32>,
    return
  }
}

</mosaic_0001>

<sc_bundles>
// kernel: kernel.5.cloned.1.call-start
scs
__scs_entry_jumppad:
0x0: {  	(pc) =	sbr.rel $0x88, $3  }
0x1: {  	(tag) =	ssettag $0x0;
	lr =	simm.s32 $0x1  }
0x2: {  	[smem:$0x3F9D] =	sst lr;
	_ =	strace $0xD0000000  }
0x3: {  	_ = 	snop  }
0x4: {  	_ = 	snop  }
0x5: {  	_ = 	snop  }
0x6: {  	_ = 	snop  }
0x7: {  	_ = 	snop  }
__scs_overlays_trampoline_lowered:
0x8: {  	[smem:$0x3FAC] =	sst s0  }
0x9: {  	[smem:$0x3FAD] =	sst s1  }
0xa: {  	[smem:$0x3FAE] =	sst s2  }
0xb: {  	[smem:$0x3FAF] =	sst s3  }
0xc: {  	[smem:$0x3FB0] =	sst s4  }
0xd: {  	[smem:$0x3FB1] =	sst s5  }
0xe: {  	[smem:$0x3FB2] =	sst s6  }
0xf: {  	[smem:$0x3FB3] =	sst s7  }
0x10: {  	[smem:$0x3FB4] =	sst s8  }
0x11: {  	[smem:$0x3FB5] =	sst s9;
	s0 =	simm.s32 @!p0 $0x0  }
0x12: {  	s1 =	sld [smem:$0x3F9B];
	s0 =	simm.s32 @p0 $0x1  }
0x13: {  	[smem:$0x3FB6] =	sst s0;
	s0 =	simm.s32 @!p1 $0x0  }
0x14: {  	s2 =	sld [smem:$0x3F9A];
	s0 =	simm.s32 @p1 $0x1  }
0x15: {  	[smem:$0x3FB7] =	sst s0;
	s0 =	simm.s32 @!p2 $0x0  }
0x16: {  	s3 =	sld [smem:$0x3FDB];
	s0 =	simm.s32 @p2 $0x1  }
0x17: {  	s4 =	simm.s32 $0x1BF5;
	[smem:$0x3FB9] =	sst s0  }
0x18: {  	s0 =	sld [smem:$0x3F9C];
	_ =	swait.ge [sflag:s4], $0x0  }
0x19: {  	s7 =	sld [smem:$0x3F9D]  }
0x1a: {  	s8 =	sadd.s32 $0xFFFFE003, lr  }
0x1b: {  	s9 =	sadd.s32 $0xFFFFFEF7, lr;
	s5 =	simm.s32 $0xFFFFFFFF;
	p2 =	slt.u32 s8, $0xFFFFF086  }
0x1c: {  	p1 =	slt.u32 s9, $0xF7A;
	s5 =	simm.s32 @!p2 $0x0  }
0x1d: {  	s5 =	simm.s32 @p1 $0x1;
	p0 =	seq.s32 s7, s2  }
0x1e: {  	s7 =	smul.u32 @!p0 $0xF7A, s2;
	p2 =	seq.s32 @!p0 s5, $0x0  }
0x1f: {  	s9 =	smul.u32 $0xF7A, s1;
	s8 =	simm.s32 @!p0 $0x1BF5;
	p2 =	por !p2, p0  }
0x20: {  	[sflag:s8] =	ssyncset.s32 @!p0 $0xFFFFF086;
	s6 =	sadd.s32 @!p0 s3, s7;
	s7 =	simm.s32 @!p0 $0x108  }
0x21: {  	s3 =	sadd.s32 s3, s9;
	s6 =	sadd.s32 @!p0 $0x88, s6;
	s7 =	simm.s32 @p2 $0x1082  }
0x22: {  	[simem:s7], [sflag:s8] =	dma.local @!p0 [hbm:s6], $0xF7A  }
0x23: {  	s9 =	sor.u32 $0xD0000000, s2;
	s6 =	simm.s32 $0x108;
	_ =	swait.ge @!p0 [sflag:s8], $0x0  }
0x24: {  	s3 =	sadd.s32 $0x88, s3;
	s6 =	simm.s32 @!p1 $0x1082;
	[sflag:s4] =	ssyncset.s32 $0xFFFFF086  }
0x25: {  	[simem:s6], [sflag:s4] =	dma.local [hbm:s3], $0xF7A  }
0x26: {  	[smem:$0x3F9D] =	sst s1;
	(tag) =	ssettag s2;
	_ =	strace s9  }
0x27: {  	s1 =	sld [smem:$0x3FAD]  }
0x28: {  	s2 =	sld [smem:$0x3FAE]  }
0x29: {  	s4 =	sld [smem:$0x3FB0]  }
0x2a: {  	p0 =	seq.s32 s5, $0x0;
	s5 =	sld [smem:$0x3FB1]  }
0x2b: {  	s6 =	sld [smem:$0x3FB2]  }
0x2c: {  	s7 =	sld [smem:$0x3FB3]  }
0x2d: {  	s3 =	simm.s32 $0x108;
	s8 =	sld [smem:$0x3FB4]  }
0x2e: {  	s3 =	simm.s32 @!p0 $0x1082;
	s9 =	sld [smem:$0x3FB5]  }
0x2f: {  	lr =	sadd.s32 s0, s3;
	s0 =	sld [smem:$0x3FAC]  }
0x30: {  	s3 =	sld [smem:$0x3FAF]  }
0x31: {  	[smem:$0x3FB8] =	sst s10  }
0x32: {  	s10 =	sld [smem:$0x3FB6];
	_ =	sdelay $0x3  }
0x33: {  	p0 =	seq.s32 s10, $0x1;
	s10 =	sld [smem:$0x3FB8];
	_ =	sdelay $0x3  }
0x34: {  	[smem:$0x3FB8] =	sst s10  }
0x35: {  	s10 =	sld [smem:$0x3FB7];
	_ =	sdelay $0x3  }
0x36: {  	p1 =	seq.s32 s10, $0x1;
	s10 =	sld [smem:$0x3FB8];
	_ =	sdelay $0x3  }
0x37: {  	[smem:$0x3FB8] =	sst s10  }
0x38: {  	s10 =	sld [smem:$0x3FB9]  }
0x39: {  	_ = 	snop;
	(pc) =	sbr.ind lr, $3  }
0x3a: {  	_ = 	snop  }
0x3b: {  	_ = 	snop  }
0x3c: {  	p2 =	seq.s32 s10, $0x1;
	s10 =	sld [smem:$0x3FB8]  }
0x3d: {  	_ =	shalt  }
0x3e: {  	_ =	shalt  }
0x3f: {  	_ =	shalt  }
0x40: {  	_ =	shalt  }
0x41: {  	_ =	shalt  }
0x42: {  	_ =	shalt  }
0x43: {  	_ =	shalt  }
0x44: {  	_ =	shalt  }
0x45: {  	_ =	shalt  }
0x46: {  	_ =	shalt  }
0x47: {  	_ =	shalt  }
0x48: {  	_ =	shalt  }
0x49: {  	_ =	shalt  }
0x4a: {  	_ =	shalt  }
0x4b: {  	_ =	shalt  }
0x4c: {  	_ =	shalt  }
0x4d: {  	_ =	shalt  }
0x4e: {  	_ =	shalt  }
0x4f: {  	_ =	shalt  }
0x50: {  	_ =	shalt  }
0x51: {  	_ =	shalt  }
0x52: {  	_ =	shalt  }
0x53: {  	_ =	shalt  }
0x54: {  	_ =	shalt  }
0x55: {  	_ =	shalt  }
0x56: {  	_ =	shalt  }
0x57: {  	_ =	shalt  }
0x58: {  	_ =	shalt  }
0x59: {  	_ =	shalt  }
0x5a: {  	_ =	shalt  }
0x5b: {  	_ =	shalt  }
0x5c: {  	_ =	shalt  }
0x5d: {  	_ =	shalt  }
0x5e: {  	_ =	shalt  }
0x5f: {  	_ =	shalt  }
0x60: {  	_ =	shalt  }
0x61: {  	_ =	shalt  }
0x62: {  	_ =	shalt  }
0x63: {  	_ =	shalt  }
0x64: {  	_ =	shalt  }
0x65: {  	_ =	shalt  }
0x66: {  	_ =	shalt  }
0x67: {  	_ =	shalt  }
0x68: {  	_ =	shalt  }
0x69: {  	_ =	shalt  }
0x6a: {  	_ =	shalt  }
0x6b: {  	_ =	shalt  }
0x6c: {  	_ =	shalt  }
0x6d: {  	_ =	shalt  }
0x6e: {  	_ =	shalt  }
0x6f: {  	_ =	shalt  }
0x70: {  	_ =	shalt  }
0x71: {  	_ =	shalt  }
0x72: {  	_ =	shalt  }
0x73: {  	_ =	shalt  }
0x74: {  	_ =	shalt  }
0x75: {  	_ =	shalt  }
0x76: {  	_ =	shalt  }
0x77: {  	_ =	shalt  }
0x78: {  	_ =	shalt  }
0x79: {  	_ =	shalt  }
0x7a: {  	_ =	shalt  }
0x7b: {  	_ =	shalt  }
0x7c: {  	_ =	shalt  }
0x7d: {  	_ =	shalt  }
0x7e: {  	_ =	shalt  }
0x7f: {  	_ =	shalt  }
0x80: {  	_ =	shalt  }
0x81: {  	_ =	shalt  }
0x82: {  	_ =	shalt  }
0x83: {  	_ =	shalt  }
0x84: {  	_ =	shalt  }
0x85: {  	_ =	shalt  }
0x86: {  	_ =	shalt  }
0x87: {  	_ =	shalt  }
.Lfunc_end0:
.L_simem_size_0:
called_computation_lowered:
.L_overlay_start_0:
0x88: {  	s2 =	sld [smem:$0x3FD9]  }
0x89: {  	s3 =	sld [smem:$0x3FFE];
	_ =	sdelay $0x1  }
0x8a: {  	s1 =	srdreg.scid  }
0x8b: {  	s0 =	sand.u32 $0x1, s1  }
0x8c: {  	s17 =	sshll.u32 s0, $0xA;
	s2 =	sadd.s32 s3, s2  }
0x8d: {  	s2 =	sadd.s32 s2, s17  }
0x8e: {  	[smem:$0x3FC4] =	sst s2  }
0x8f: {  	_ = 	snop  }
0x90: {  	s2 =	sld [smem:$0x3FD0];
	(tm) =	ssettm $0x1  }
0x91: {  	s18 =	sld [smem:$0x3FFB];
	_ =	sdelay $0x3  }
0x92: {  	_ =	strace s18  }
0x93: {  	s3 =	sld [smem:$0x3FFC];
	_ =	sdelay $0x3  }
0x94: {  	_ =	strace s3  }
0x95: {  	s3 =	sld [smem:$0x3FFD];
	_ =	sdelay $0x3  }
0x96: {  	_ =	strace s3  }
0x97: {  	_ =	strace $0x8FFFFFFF  }
0x98: {  	s19 =	sld [smem:$0x3FDB];
	_ =	sdelay $0x1  }
0x99: {  	s4 =	simm.s32 $_scs_section_size  }
0x9a: {  	s5 =	simm.s32 $_size__tile_overlayer_lowered;
	s6 =	simm.s32 $_tile_overlayer_lowered  }
0x9b: {  	s22 =	simm.s32 $0x1BFF;
	s21 =	sshll.u32 s6, $0x1;
	s3 =	sadd.s32 s4, s19  }
0x9c: {  	s7 =	simm.s32 $0x0;
	s20 =	sshll.u32 s5, $0x1;
	s5 =	sadd.s32 s21, s3  }
0x9d: {  	[timem:s7], [sflag:s22] =	dma.local [hbm:s5], s20  }
0x9e: {  	_ =	swait.ge [sflag:s22], s20  }
0x9f: {  	s4 =	ssub.s32 $0x0, s20;
	[sflag:s22] =	ssyncset.done $0x0  }
0xa0: {  	[sflag:s22] =	ssyncadd.s32 s4;
	_ =	sdelay $0x1  }
0xa1: {  	s23 =	simm.s32 $0x1B8B  }
0xa2: {  	_ =	swait.ge [sflag:s23], $0x1  }
0xa3: {  	[sflag:s23] =	ssyncset.done $0x0  }
0xa4: {  	s25 =	simm.s32 $0x1B8E;
	s24 =	sld [smem:$0x3FFE];
	[sflag:s23] =	ssyncadd.s32 $0xFFFFFFFF  }
0xa5: {  	s26 =	simm.s32 $execute0_lowered;
	[smem:$0x3FD2] =	sst s25  }
0xa6: {  	s5 =	sshll.u32 s26, $0x1;
	_ =	strace $0x80000046;
	[dreg:$0x1] =	wrdreg $0xFFFFFFFF  }
0xa7: {  	s28 =	simm.s32 $_size_execute0_lowered;
	s3 =	sadd.s32 s3, s5;
	[dreg:$0x0] =	wrdreg $0x0  }
0xa8: {  	s5 =	sshll.u32 s28, $0x1;
	[dreg:$0x2] =	wrdreg s3  }
0xa9: {  	[dreg:$0x3] =	wrdreg s5  }
0xaa: {  	[dreg:$0x4] =	wrdreg $0xC0  }
0xab: {  	_ =	task [dreg:s7], $0x5FFFF  }
0xac: {  	[dreg:$0x1] =	wrdreg $0xFFFFFFFF  }
0xad: {  	[dreg:$0x0] =	wrdreg $0x60  }
0xae: {  	[dreg:$0x2] =	wrdreg s24  }
0xaf: {  	[dreg:$0x3] =	wrdreg s2  }
0xb0: {  	[dreg:$0x4] =	wrdreg $0x0  }
0xb1: {  	[dreg:$0x5] =	wrdreg $0x9  }
0xb2: {  	_ =	task.clear_ibuf [dreg:s7], $0x6FFFF;
	_ =	strace $0x90000046  }
0xb3: {  	s29 =	simm.s32 $0x9;
	_ =	strace $0x80000048  }
0xb4: {  	_ =	swait.ge [sflag:s29], $0x1  }
0xb5: {  	[sflag:s29] =	ssyncadd.s32 $0xFFFFFFFF  }
0xb6: {  	_ =	strace $0x90000048  }
0xb7: {  	_ =	sfence  }
0xb8: {  	s30 =	sld [smem:$0x0];
	_ =	sdelay $0x2  }
0xb9: {  	s31 =	sshll.u32 s1, $0xD;
	s1 =	sshrl.u32 s1, $0x2  }
0xba: {  	s3 =	sand.u32 $0x4000, s31;
	s1 =	sadd.s32 s1, s30  }
0xbb: {  	s0 =	sor.u32 s3, s0;
	s1 =	sshll.u32 s1, $0x11  }
0xbc: {  	s0 =	sor.u32 s1, s0  }
0xbd: {  	s0 =	sadd.s32 $0x8F2B, s0  }
0xbe: {  	[sflag:s0] =	ssyncadd.remote.s32 $0x1  }
0xbf: {  	_ =	sfence.sel $0xFFFF  }
0xc0: {  	[dreg:$0x0] =	wrdreg $0xFFFFFFFF;
	(pc) =	sbr.abs _section_cstart, $3  }
0xc1: {  	[dreg:$0x1] =	wrdreg $0xFFFFFFFF  }
0xc2: {  	_ =	task.clear_ibuf [dreg:s7], $0x2FFFF;
	_ =	strace $0x9FFFFFFF  }
0xc3: {  	(tm) =	ssettm $0x7FFFFFFF  }
tec
execute0_lowered:
.L_overlay_start_1:
0x0: {  	(tag) =	ssettag $0x1  }
0x1: {  	s0 =	rddreg [dreg:$0x0]  }
0x2: {  	s1 =	rddreg [dreg:$0x1];
	s3 =	srdreg.scid  }
0x3: {  	s15 =	stileid.u32;
	s2 =	rddreg [dreg:$0x2]  }
0x4: {  	s16 =	simm.s32 $0x3;
	s28 =	simm.s32 $0xE080;
	s29 =	simm.s32 $0x1  }
0x5: {  	s30 =	simm.s32 $0x80;
	s31 =	simm.s32 $0x10880;
	s6 =	sand.u32 $0x1, s3  }
0x6: {  	s4 =	sshll.u32 s15, $0x1;
	s3 =	simm.s32 $0x0;
	s19 =	smul.u32 $0x15000, s15  }
0x7: {  	s8 =	sadd.s32 $0x3DC00, s0;
	s9 =	sadd.s32 $0x3DE00, s0;
	s20 =	smul.u32 $0x14000, s15  }
0x8: {  	s12 =	sshrl.u32 s15, $0x3;
	s23 =	sshll.u32 s15, $0x7;
	s13 =	smul.u32 $0xA00, s15  }
0x9: {  	s14 =	smul.u32 $0x5000, s15;
	s26 =	sshll.u32 s15, $0x6;
	s5 =	sor.u32 s6, s4  }
0xa: {  	[smem:$0x7FF] =	sst s3;
	s4 =	sadd.s32 $0x15C00, s0;
	s21 =	smul.u32 $0xA800, s6  }
0xb: {  	s17 =	ssub.s32 $0x2, s6;
	s22 =	smul.u32 $0x5400, s12;
	p0 =	seq.s32 s6, $0x1  }
0xc: {  	s24 =	sand.u32 $0x380, s23;
	s6 =	smul.u32 $0x2800, s6;
	s23 =	simm.s32 $0x8600  }
0xd: {  	s7 =	smul.u32 $0x500, s5;
	_ =	strace $0x80000047;
	[dreg:$0x4] =	wrdreg s8  }
0xe: {  	s5 =	smul.u32 $0x50, s5;
	[dreg:$0x5] =	wrdreg s9;
	s10 =	sshrl.u32 s17, $0x1  }
0xf: {  	s8 =	ssub.s32 s17, s10;
	s10 =	sshrl.u32 s19, $0x2;
	s14 =	sadd.s32 s6, s14  }
0x10: {  	s19 =	sor.u32 $0x1C03, s26;
	s26 =	simm.s32 $0xB880;
	s17 =	simm.s32 $0x0  }
0x11: {  	s7 =	sadd.s32 s7, s0;
	s18 =	sshrl.u32 s5, $0x3;
	s25 =	smax.u32 s8, $0x1  }
0x12: {  	s10 =	sadd.s32 s10, s2;
	s11 =	sadd.s32 $0x1C00, s7;
	[dreg:$0xa] =	wrdreg s25  }
0x13: {  	s9 =	sadd.s32 s18, s0;
	s7 =	sadd.s32 $0xBC00, s7;
	[dreg:$0x6] =	wrdreg s11  }
0x14: {  	[dreg:$0x7] =	wrdreg s7;
	s9 =	sadd.s32 $0x52A00, s9;
	s7 =	sshrl.u32 s20, $0x2  }
0x15: {  	s11 =	simm.s32 $0x48A00;
	s20 =	sshrl.u32 s10, $0x3;
	[dreg:$0x8] =	wrdreg s9  }
.Ltmp0:
0x16: {  	s9 =	sadd.s32 s21, s22;
	s11 =	simm.s32 @!p0 $0x3EA00;
	(pc) =	sbr.rel .LBB2_1-.Ltmp0, $4  }
0x17: {  	s7 =	sadd.s32 s7, s2;
	s21 =	simm.s32 $0x5400;
	s9 =	sor.u32 s24, s9  }
0x18: {  	s0 =	sadd.s32 s11, s0;
	s24 =	simm.s32 $0x9080;
	s9 =	sshrl.u32 s9, $0x3  }
0x19: {  	v0 =	vimm.s32 $0xA00;
	s25 =	sshrl.u32 s7, $0x3;
	s13 =	sadd.s32 s0, s13;
	s1 =	sadd.s32 s1, s9  }
0x1a: {  	v1 =	vlaneseq.u32;
	v2 =	vimm.f32 $0.0e+00;
	v3 =	vimm.s32 $0x0;
	s0 =	simm.s32 $0x14880;
	[dreg:$0x9] =	wrdreg s1;
	s1 =	simm.s32 $0x2  }
.LBB2_21:
0x1b: {  	[bflag:$0x0] =	sbarrier.arrive $0xFFFF  }
0x1c: {  	[hbm:s13], [sflag:s19] =	dma.local [spmem:s25], $0xA00  }
0x1d: {  	_ =	swait.ge [sflag:s16], $0xA00  }
0x1e: {  	[sflag:s16] =	ssyncset.done $0x0  }
0x1f: {  	s7 =	simm.s32 $0x400;
	s6 =	rddreg [dreg:$0x9];
	[sflag:s16] =	ssyncadd.s32 $0xFFFFF600  }
0x20: {  	[hbm4b:s6+s30] =	stream.strided.scatter [tilespmem:s23], [sflag:$0x3], $0xA80, s7, s30, $0x38;
	[tilespmem:$0x1D900] =	vst v63  }
0x21: {  	_ =	swait.ge [sflag:s16], $0xA80  }
0x22: {  	s17 =	sadd.s32 $0x1, s17;
	s22 =	rddreg [dreg:$0xa]  }
0x23: {  	p0 =	sne.s32 s17, s22  }
.Ltmp1:
0x24: {  	_ = 	snop;
	(pc) =	sbr.rel @!p0 .LBB2_22-.Ltmp1, $3  }
0x25: {  	_ =	sdelay $0x1  }
0x26: {  	[sflag:s16] =	ssyncset.done $0x0  }
0x27: {  	[sflag:s16] =	ssyncadd.s32 $0xFFFFF580  }
.LBB2_1:
0x28: {  	s6 =	rddreg [dreg:$0x6];
	s7 =	simm.s32 $0x18880  }
0x29: {  	[tilespmem:s7], [sflag:$0x3] =	stream.linear.gather [hbm4b:s6+s3], $0x2800, $0x38;
	[tilespmem:$0x1D900] =	vst v63  }
0x2a: {  	_ =	swait.ge [sflag:s16], $0x2800  }
0x2b: {  	[sflag:s16] =	ssyncset.done $0x0  }
0x2c: {  	s12 =	simm.s32 $0x1B080;
	s11 =	rddreg [dreg:$0x7];
	[sflag:s16] =	ssyncadd.s32 $0xFFFFD800  }
0x2d: {  	[tilespmem:s12], [sflag:$0x3] =	stream.linear.gather [hbm4b:s11+s3], $0x2800, $0x38;
	[tilespmem:$0x1D900] =	vst v63  }
0x2e: {  	_ =	swait.ge [sflag:s16], $0x2800  }
0x2f: {  	[sflag:s16] =	ssyncset.done $0x0  }
0x30: {  	s18 =	simm.s32 $0x7C00;
	s15 =	rddreg [dreg:$0x4];
	[sflag:s16] =	ssyncadd.s32 $0xFFFFD800  }
0x31: {  	[tilespmem:s18], [sflag:$0x3] =	stream.linear.gather [hbm4b:s15+s3], $0xA00, $0x38;
	[tilespmem:$0x1D900] =	vst v63  }
0x32: {  	_ =	swait.ge [sflag:s16], $0xA00  }
0x33: {  	[sflag:s16] =	ssyncset.done $0x0  }
0x34: {  	s22 =	rddreg [dreg:$0x5];
	[sflag:s16] =	ssyncadd.s32 $0xFFFFF600  }
0x35: {  	[spmem:s20], [sflag:s19] =	dma.local [hbm:s22], $0xA80  }
0x36: {  	_ =	swait.ge [sflag:s16], $0xA80  }
0x37: {  	[sflag:s16] =	ssyncset.done $0x0  }
0x38: {  	s6 =	simm.s32 $0x0;
	[sflag:s16] =	ssyncadd.s32 $0xFFFFF580  }
.LBB2_2:
0x39: {  	p0 =	sne.s32 s6, $0x9FC0  }
.Ltmp2:
0x3a: {  	_ = 	snop;
	(pc) =	sbr.rel @p0 .LBB2_2-.Ltmp2, $3  }
0x3b: {  	_ =	sdelay $0x1  }
0x3c: {  	s7 =	sshra.s32 s6, $0x2  }
0x3d: {  	s6 =	sadd.s32 $0x40, s6;
	[tilespmem:s7+$0x5400] =	vst v0  }
0x3e: {  	s7 =	simm.s32 $0x7C00  }
0x3f: {  	s6 =	simm.s32 $0x0;
	s8 =	simm.s32 $0x10;
	s9 =	simm.s32 $0x0;
	v4 =	vld [tilespmem:s7+$0x0]  }
.LBB2_4:
0x40: {  	p0 =	sne.s32 s8, $0x9F0;
	_ =	sdelay $0x3  }
.Ltmp3:
0x41: {  	(pc) =	sbr.rel @p0 .LBB2_4-.Ltmp3, $4  }
0x42: {  	_ = 	snop  }
0x43: {  	v5 =	vor.u32 s9, v1;
	s9 =	smov.u32 s8  }
0x44: {  	s7 =	sadd.s32 $0x10, s7;
	[tilespmem:v4+s21+$0x0] =	vst.idx.msk $0xffff, v5  }
0x45: {  	s8 =	sadd.s32 $0x10, s8;
	v4 =	vld [tilespmem:s7+$0x0]  }
0x46: {  	_ =	sdelay $0x6  }
0x47: {  	v5 =	vor.u32 s9, v1  }
0x48: {  	[tilespmem:v4+s21+$0x0] =	vst.idx.msk $0xffff, v5  }
.LBB2_6:
0x49: {  	p0 =	sne.s32 s6, $0x29C0  }
.Ltmp4:
0x4a: {  	_ = 	snop;
	(pc) =	sbr.rel @p0 .LBB2_6-.Ltmp4, $3  }
0x4b: {  	_ =	sdelay $0x1  }
0x4c: {  	s7 =	sshra.s32 s6, $0x2  }
0x4d: {  	s6 =	sadd.s32 $0x40, s6;
	[tilespmem:s7+$0x8600] =	vst v2  }
0x4e: {  	s6 =	simm.s32 $0x0;
	s7 =	simm.s32 $0x200  }
.LBB2_8:
0x4f: {  	p0 =	sne.s32 s7, $0x9E00;
	[tilespmem:s6+$0xB8F0] =	vst v3  }
0x50: {  	[tilespmem:s6+$0x9080] =	vst v0  }
0x51: {  	[tilespmem:s6+$0xB880] =	vst v3  }
0x52: {  	[tilespmem:s6+$0x9090] =	vst v0  }
0x53: {  	[tilespmem:s6+$0xB890] =	vst v3  }
0x54: {  	[tilespmem:s6+$0x90A0] =	vst v0  }
0x55: {  	[tilespmem:s6+$0xB8A0] =	vst v3  }
0x56: {  	[tilespmem:s6+$0x90B0] =	vst v0  }
0x57: {  	[tilespmem:s6+$0xB8B0] =	vst v3  }
0x58: {  	[tilespmem:s6+$0x90C0] =	vst v0  }
0x59: {  	[tilespmem:s6+$0xB8C0] =	vst v3  }
.Ltmp5:
0x5a: {  	[tilespmem:s6+$0x90D0] =	vst v0;
	(pc) =	sbr.rel @p0 .LBB2_8-.Ltmp5, $4  }
0x5b: {  	[tilespmem:s6+$0xB8D0] =	vst v3  }
0x5c: {  	[tilespmem:s6+$0x90E0] =	vst v0  }
0x5d: {  	[tilespmem:s6+$0xB8E0] =	vst v3  }
0x5e: {  	[tilespmem:s6+$0x90F0] =	vst v0;
	s6 =	sshra.s32 s7, $0x2;
	s7 =	sadd.s32 $0x200, s7  }
0x5f: {  	[tilespmem:s6+$0xB8F0] =	vst v3  }
0x60: {  	[tilespmem:s6+$0x9080] =	vst v0  }
0x61: {  	[tilespmem:s6+$0xB880] =	vst v3  }
0x62: {  	[tilespmem:s6+$0x9090] =	vst v0  }
0x63: {  	[tilespmem:s6+$0xB890] =	vst v3  }
0x64: {  	[tilespmem:s6+$0x90A0] =	vst v0  }
0x65: {  	[tilespmem:s6+$0xB8A0] =	vst v3  }
0x66: {  	[tilespmem:s6+$0x90B0] =	vst v0  }
0x67: {  	[tilespmem:s6+$0xB8B0] =	vst v3  }
0x68: {  	[tilespmem:s6+$0x90C0] =	vst v0  }
0x69: {  	[tilespmem:s6+$0xB8C0] =	vst v3  }
0x6a: {  	[tilespmem:s6+$0x90D0] =	vst v0  }
0x6b: {  	[tilespmem:s6+$0xB8D0] =	vst v3  }
0x6c: {  	[tilespmem:s6+$0x90E0] =	vst v0  }
0x6d: {  	[tilespmem:s6+$0xB8E0] =	vst v3  }
0x6e: {  	[tilespmem:s6+$0x90F0] =	vst v0  }
0x6f: {  	v4 =	vld [tilespmem:s5+$0x7C00];
	_ =	sdelay $0x7  }
0x70: {  	v4 =	vld.idx.msk [tilespmem:v4+s21+$0x0], $0xffff;
	_ =	sdelay $0x4  }
0x71: {  	[tilespmem:$0x1D880] =	vst v4  }
0x72: {  	v4 =	vld [tilespmem:s5+$0x7C10];
	_ =	sdelay $0x7  }
0x73: {  	v4 =	vld.idx.msk [tilespmem:v4+s21+$0x0], $0xffff;
	_ =	sdelay $0x4  }
0x74: {  	[tilespmem:$0x1D890] =	vst v4  }
0x75: {  	v4 =	vld [tilespmem:s5+$0x7C20];
	_ =	sdelay $0x7  }
0x76: {  	v4 =	vld.idx.msk [tilespmem:v4+s21+$0x0], $0xffff;
	_ =	sdelay $0x4  }
0x77: {  	[tilespmem:$0x1D8A0] =	vst v4  }
0x78: {  	v4 =	vld [tilespmem:s5+$0x7C30];
	_ =	sdelay $0x7  }
0x79: {  	v4 =	vld.idx.msk [tilespmem:v4+s21+$0x0], $0xffff;
	_ =	sdelay $0x4  }
0x7a: {  	[tilespmem:$0x1D8B0] =	vst v4  }
0x7b: {  	v4 =	vld [tilespmem:s5+$0x7C40];
	_ =	sdelay $0x7  }
0x7c: {  	v4 =	vld.idx.msk [tilespmem:v4+s21+$0x0], $0xffff;
	_ =	sdelay $0x4  }
0x7d: {  	s6 =	simm.s32 $0x0;
	s7 =	rddreg [dreg:$0x8];
	s8 =	simm.s32 $0x1D880;
	[tilespmem:$0x1D8C0] =	vst v4  }
0x7e: {  	[hbm4b:s7+s6] =	stream.linear.scatter [tilespmem:s8], [sflag:$0x3], $0x50, $0x38;
	[tilespmem:$0x1D900] =	vst v63  }
0x7f: {  	_ =	swait.ge [sflag:s16], $0x50  }
0x80: {  	[sflag:s16] =	ssyncset.done $0x0  }
0x81: {  	[sflag:s16] =	ssyncadd.s32 $0xFFFFFFB0  }
0x82: {  	s15 =	simm.s32 $0x1B0C0;
	v4 =	vimm.s32 $0x0;
	s7 =	simm.s32 $0x188C0;
	[bflag:$0x0] =	sbarrier.arrive $0xFFFF  }
.LBB2_10:
0x83: {  	v5 =	vld [tilespmem:s7+$0xFFFFFFC0];
	_ =	sdelay $0x7  }
0x84: {  	v5 =	vld.idx.msk [tilespmem:v5+s21+$0x0], $0xffff;
	_ =	sdelay $0x4  }
0x85: {  	vm0 =	vlt.s32 v5, $0xA00  }
0x86: {  	v6 =	vsel vm0, $0x1, v3  }
0x87: {  	(xrf0) =	vadd.scan.msk.s32 $0xffff, v6;
	_ =	sdelay $0x5  }
0x88: {  	v6, _, _ =	vpop (xrf0)  }
0x89: {  	v7 =	vld [tilespmem:s15+$0xFFFFFFC0];
	v6 =	vadd.s32 v6, v4  }
0x8a: {  	v6 =	vadd.s32 $0xFFFFFFFF, v6  }
0x8b: {  	s18 =	sadd.s32 s6, s14  }
0x8c: {  	v8 =	vmov s18  }
0x8d: {  	v8 =	vshrl.u32 v8, $0x5  }
0x8e: {  	v8 =	vbroadcast v8, $0x0;
	[tilespmem:v5+s23+$0x0] =	vst.idx.add.f32.msk $0xffff, v7  }
0x8f: {  	[tilespmem:v6+s24+$0x0] =	vst.idx.msk vm0, v5  }
0x90: {  	[tilespmem:v6+s26+$0x0] =	vst.idx.msk vm0, v8  }
0x91: {  	[tilespmem:v6+s28+$0x0] =	vst.idx.msk vm0, v7  }
0x92: {  	v5 =	vld [tilespmem:s7+$0xFFFFFFD0];
	_ =	sdelay $0x7  }
0x93: {  	v5 =	vld.idx.msk [tilespmem:v5+s21+$0x0], $0xffff;
	_ =	sdelay $0x4  }
0x94: {  	vm1 =	vlt.s32 v5, $0xA00  }
0x95: {  	v6 =	vsel vm1, $0x1, v3  }
0x96: {  	(xrf0) =	vadd.scan.msk.s32 $0xffff, v6;
	_ =	sdelay $0x1  }
0x97: {  	v6 =	vmpcnt.ones.xlane vm0;
	_ =	sdelay $0x3  }
0x98: {  	v4 =	vadd.s32 v4, v6;
	v6, _, _ =	vpop (xrf0)  }
0x99: {  	v7 =	vld [tilespmem:s15+$0xFFFFFFD0];
	v6 =	vadd.s32 v6, v4  }
0x9a: {  	v6 =	vadd.s32 $0xFFFFFFFF, v6;
	_ =	sdelay $0x3  }
0x9b: {  	[tilespmem:v5+s23+$0x0] =	vst.idx.add.f32.msk $0xffff, v7  }
0x9c: {  	[tilespmem:v6+s24+$0x0] =	vst.idx.msk vm1, v5  }
0x9d: {  	[tilespmem:v6+s26+$0x0] =	vst.idx.msk vm1, v8  }
0x9e: {  	[tilespmem:v6+s28+$0x0] =	vst.idx.msk vm1, v7  }
0x9f: {  	v5 =	vld [tilespmem:s7+$0xFFFFFFE0];
	_ =	sdelay $0x7  }
0xa0: {  	v5 =	vld.idx.msk [tilespmem:v5+s21+$0x0], $0xffff;
	_ =	sdelay $0x4  }
0xa1: {  	vm10 =	vlt.s32 v5, $0xA00  }
0xa2: {  	v6 =	vsel vm10, $0x1, v3  }
0xa3: {  	(xrf0) =	vadd.scan.msk.s32 $0xffff, v6;
	_ =	sdelay $0x1  }
0xa4: {  	v6 =	vmpcnt.ones.xlane vm1;
	_ =	sdelay $0x3  }
0xa5: {  	v4 =	vadd.s32 v4, v6;
	v6, _, _ =	vpop (xrf0)  }
0xa6: {  	v7 =	vld [tilespmem:s15+$0xFFFFFFE0];
	v6 =	vadd.s32 v6, v4  }
0xa7: {  	v6 =	vadd.s32 $0xFFFFFFFF, v6  }
0xa8: {  	s8 =	sadd.s32 $0x20, s18  }
0xa9: {  	v58 =	vmov s8  }
0xaa: {  	v8 =	vshrl.u32 v58, $0x5  }
0xab: {  	v8 =	vbroadcast v8, $0x0;
	[tilespmem:v5+s23+$0x0] =	vst.idx.add.f32.msk $0xffff, v7  }
0xac: {  	[tilespmem:v6+s24+$0x0] =	vst.idx.msk vm10, v5  }
0xad: {  	[tilespmem:v6+s26+$0x0] =	vst.idx.msk vm10, v8  }
0xae: {  	[tilespmem:v6+s28+$0x0] =	vst.idx.msk vm10, v7  }
0xaf: {  	v5 =	vld [tilespmem:s7+$0xFFFFFFF0];
	_ =	sdelay $0x7  }
0xb0: {  	v5 =	vld.idx.msk [tilespmem:v5+s21+$0x0], $0xffff;
	_ =	sdelay $0x4  }
0xb1: {  	vm11 =	vlt.s32 v5, $0xA00  }
0xb2: {  	v6 =	vsel vm11, $0x1, v3  }
0xb3: {  	(xrf0) =	vadd.scan.msk.s32 $0xffff, v6;
	_ =	sdelay $0x1  }
0xb4: {  	v6 =	vmpcnt.ones.xlane vm10;
	_ =	sdelay $0x3  }
0xb5: {  	v4 =	vadd.s32 v4, v6;
	v6, _, _ =	vpop (xrf0)  }
0xb6: {  	v7 =	vld [tilespmem:s15+$0xFFFFFFF0];
	v6 =	vadd.s32 v6, v4  }
0xb7: {  	v6 =	vadd.s32 $0xFFFFFFFF, v6  }
0xb8: {  	s9 =	sadd.s32 $0x30, s18  }
0xb9: {  	v59 =	vmov s9  }
0xba: {  	v8 =	vshrl.u32 v59, $0x5  }
0xbb: {  	v8 =	vbroadcast v8, $0x0;
	[tilespmem:v5+s23+$0x0] =	vst.idx.add.f32.msk $0xffff, v7  }
0xbc: {  	[tilespmem:v6+s24+$0x0] =	vst.idx.msk vm11, v5  }
0xbd: {  	[tilespmem:v6+s26+$0x0] =	vst.idx.msk vm11, v8  }
0xbe: {  	[tilespmem:v6+s28+$0x0] =	vst.idx.msk vm11, v7  }
0xbf: {  	v5 =	vld [tilespmem:s7+$0x0];
	_ =	sdelay $0x7  }
0xc0: {  	v5 =	vld.idx.msk [tilespmem:v5+s21+$0x0], $0xffff;
	_ =	sdelay $0x4  }
0xc1: {  	vm12 =	vlt.s32 v5, $0xA00  }
0xc2: {  	v6 =	vsel vm12, $0x1, v3  }
0xc3: {  	(xrf0) =	vadd.scan.msk.s32 $0xffff, v6;
	_ =	sdelay $0x1  }
0xc4: {  	v6 =	vmpcnt.ones.xlane vm11;
	_ =	sdelay $0x3  }
0xc5: {  	v4 =	vadd.s32 v4, v6;
	v6, _, _ =	vpop (xrf0)  }
0xc6: {  	v7 =	vld [tilespmem:s15+$0x0];
	v6 =	vadd.s32 v6, v4  }
0xc7: {  	v6 =	vadd.s32 $0xFFFFFFFF, v6  }
0xc8: {  	s10 =	sadd.s32 $0x40, s18  }
0xc9: {  	v60 =	vmov s10  }
0xca: {  	v8 =	vshrl.u32 v60, $0x5  }
0xcb: {  	v8 =	vbroadcast v8, $0x0;
	[tilespmem:v5+s23+$0x0] =	vst.idx.add.f32.msk $0xffff, v7  }
0xcc: {  	[tilespmem:v6+s24+$0x0] =	vst.idx.msk vm12, v5  }
0xcd: {  	[tilespmem:v6+s26+$0x0] =	vst.idx.msk vm12, v8  }
0xce: {  	[tilespmem:v6+s28+$0x0] =	vst.idx.msk vm12, v7  }
0xcf: {  	v5 =	vld [tilespmem:s7+$0x10];
	_ =	sdelay $0x7  }
0xd0: {  	v5 =	vld.idx.msk [tilespmem:v5+s21+$0x0], $0xffff;
	_ =	sdelay $0x4  }
0xd1: {  	vm13 =	vlt.s32 v5, $0xA00  }
0xd2: {  	v6 =	vsel vm13, $0x1, v3  }
0xd3: {  	(xrf0) =	vadd.scan.msk.s32 $0xffff, v6;
	_ =	sdelay $0x1  }
0xd4: {  	v6 =	vmpcnt.ones.xlane vm12;
	_ =	sdelay $0x3  }
0xd5: {  	v4 =	vadd.s32 v4, v6;
	v6, _, _ =	vpop (xrf0)  }
0xd6: {  	v7 =	vld [tilespmem:s15+$0x10];
	v6 =	vadd.s32 v6, v4  }
0xd7: {  	v6 =	vadd.s32 $0xFFFFFFFF, v6  }
0xd8: {  	s11 =	sadd.s32 $0x50, s18  }
0xd9: {  	v61 =	vmov s11  }
0xda: {  	v8 =	vshrl.u32 v61, $0x5  }
0xdb: {  	v8 =	vbroadcast v8, $0x0;
	[tilespmem:v5+s23+$0x0] =	vst.idx.add.f32.msk $0xffff, v7  }
0xdc: {  	[tilespmem:v6+s24+$0x0] =	vst.idx.msk vm13, v5  }
0xdd: {  	[tilespmem:v6+s26+$0x0] =	vst.idx.msk vm13, v8  }
0xde: {  	[tilespmem:v6+s28+$0x0] =	vst.idx.msk vm13, v7  }
0xdf: {  	v5 =	vld [tilespmem:s7+$0x20];
	_ =	sdelay $0x7  }
0xe0: {  	v5 =	vld.idx.msk [tilespmem:v5+s21+$0x0], $0xffff;
	_ =	sdelay $0x4  }
0xe1: {  	vm14 =	vlt.s32 v5, $0xA00  }
0xe2: {  	v6 =	vsel vm14, $0x1, v3  }
0xe3: {  	(xrf0) =	vadd.scan.msk.s32 $0xffff, v6;
	_ =	sdelay $0x1  }
0xe4: {  	v6 =	vmpcnt.ones.xlane vm13;
	_ =	sdelay $0x3  }
0xe5: {  	v4 =	vadd.s32 v4, v6;
	v6, _, _ =	vpop (xrf0)  }
0xe6: {  	v7 =	vld [tilespmem:s15+$0x20];
	v6 =	vadd.s32 v6, v4  }
0xe7: {  	v6 =	vadd.s32 $0xFFFFFFFF, v6  }
0xe8: {  	s12 =	sadd.s32 $0x60, s18  }
0xe9: {  	v62 =	vmov s12  }
0xea: {  	v8 =	vshrl.u32 v62, $0x5  }
0xeb: {  	v8 =	vbroadcast v8, $0x0;
	[tilespmem:v5+s23+$0x0] =	vst.idx.add.f32.msk $0xffff, v7  }
0xec: {  	[tilespmem:v6+s24+$0x0] =	vst.idx.msk vm14, v5  }
0xed: {  	[tilespmem:v6+s26+$0x0] =	vst.idx.msk vm14, v8  }
0xee: {  	[tilespmem:v6+s28+$0x0] =	vst.idx.msk vm14, v7  }
0xef: {  	v5 =	vld [tilespmem:s7+$0x30];
	_ =	sdelay $0x7  }
0xf0: {  	v5 =	vld.idx.msk [tilespmem:v5+s21+$0x0], $0xffff;
	_ =	sdelay $0x4  }
0xf1: {  	vm15 =	vlt.s32 v5, $0xA00  }
0xf2: {  	v6 =	vsel vm15, $0x1, v3  }
0xf3: {  	(xrf0) =	vadd.scan.msk.s32 $0xffff, v6;
	_ =	sdelay $0x1  }
0xf4: {  	v6 =	vmpcnt.ones.xlane vm14;
	_ =	sdelay $0x3  }
0xf5: {  	v4 =	vadd.s32 v4, v6;
	v6, _, _ =	vpop (xrf0)  }
0xf6: {  	v7 =	vld [tilespmem:s15+$0x30];
	v6 =	vadd.s32 v6, v4  }
0xf7: {  	v6 =	vadd.s32 $0xFFFFFFFF, v6  }
0xf8: {  	s22 =	sadd.s32 $0x70, s18  }
0xf9: {  	p0 =	sne.s32 s6, $0x2780;
	v63 =	vmov s22  }
.Ltmp6:
0xfa: {  	v8 =	vshrl.u32 v63, $0x5;
	(pc) =	sbr.rel @p0 .LBB2_10-.Ltmp6, $4  }
0xfb: {  	v8 =	vbroadcast v8, $0x0;
	[tilespmem:v5+s23+$0x0] =	vst.idx.add.f32.msk $0xffff, v7  }
0xfc: {  	[tilespmem:v6+s24+$0x0] =	vst.idx.msk vm15, v5;
	v5 =	vmpcnt.ones.xlane vm15  }
0xfd: {  	[tilespmem:v6+s26+$0x0] =	vst.idx.msk vm15, v8  }
0xfe: {  	s6 =	sadd.s32 $0x80, s6;
	s7 =	sadd.s32 $0x80, s7;
	s15 =	sadd.s32 $0x80, s15;
	[tilespmem:v6+s28+$0x0] =	vst.idx.msk vm15, v7;
	v4 =	vadd.s32 v4, v5  }
0xff: {  	v4 =	vxor.u32 $0x80000000, v4  }
0x100: {  	(xrf0) =	vmax.scan.msk.u32 $0xffff, v4;
	_ =	sdelay $0x5  }
0x101: {  	v4, _, _ =	vpop (xrf0)  }
0x102: {  	(v2sf) =	vpush v4, $0xF;
	_ =	sdelay $0xe  }
0x103: {  	s6 =	spop (v2sf)  }
0x104: {  	s6 =	sadd.s32 $0x8000007F, s6  }
0x105: {  	s18 =	sshrl.u32 s6, $0x7  }
0x106: {  	p0 =	seq.s32 s18, $0x0  }
0x107: {  	s7 =	simm.s32 @!p0 $0x80;
	s8 =	simm.s32 @!p0 $0xB880;
	s9 =	simm.s32 @!p0 $0x10880  }
0x108: {  	[tilespmem:s9], [sflag:$0x1] =	stream.indirect.gather @!p0 [hbm4b:s4+s7], $0x80, s8, s7, $0xb8;
	[tilespmem:$0x1D900] =	vst v63  }
.Ltmp7:
0x109: {  	_ = 	snop;
	(pc) =	sbr.rel .LBB2_12-.Ltmp7, $4  }
0x10a: {  	p0 =	slt.u32 s6, $0x100  }
0x10b: {  	s6 =	simm.s32 @!p0 $0x80;
	s7 =	simm.s32 @!p0 $0xB900;
	s8 =	simm.s32 @!p0 $0x14880  }
0x10c: {  	[tilespmem:s8], [sflag:$0x2] =	stream.indirect.gather @!p0 [hbm4b:s4+s6], $0x80, s7, s6, $0xb8;
	[tilespmem:$0x1D900] =	vst v63  }
0x10d: {  	s22 =	simm.s32 $0x0;
	s11 =	simm.s32 $0x80;
	s6 =	simm.s32 $0x0  }
.LBB2_20:
0x10e: {  	s6 =	sadd.s32 $0x1, s6  }
0x10f: {  	p0 =	sne.s32 s6, $0x28  }
.Ltmp8:
0x110: {  	_ = 	snop;
	(pc) =	sbr.rel @!p0 .LBB2_21-.Ltmp8, $2  }
0x111: {  	_ =	sdelay $0x2  }
0x112: {  	s22 =	sadd.s32 $0x100, s22;
	s11 =	sadd.s32 $0x100, s11  }
.LBB2_12:
0x113: {  	s7 =	sshll.u32 s6, $0x1  }
0x114: {  	p0 =	sge.u32 s7, s18  }
.Ltmp9:
0x115: {  	_ = 	snop;
	(pc) =	sbr.rel @p0 .LBB2_16-.Ltmp9, $1  }
0x116: {  	_ =	sdelay $0x3  }
0x117: {  	_ =	swait.ge [sflag:s29], $0x4000;
	s8 =	sadd.s32 $0x0, s22  }
0x118: {  	[sflag:s29] =	ssyncset.done $0x0;
	v4 =	vmov s8  }
0x119: {  	s8 =	simm.s32 $0x108C0;
	[sflag:s29] =	ssyncadd.s32 $0xFFFFC000  }
0x11a: {  	v8 =	vld [tilespmem:s8+$0x30]  }
0x11b: {  	v11 =	vld [tilespmem:s8+$0x10]  }
0x11c: {  	v9 =	vld [tilespmem:s8+$0xFFFFFFC0]  }
0x11d: {  	v5 =	vld.idx.msk [tilespmem:v4+s28+$0x0], $0xffff  }
0x11e: {  	v13 =	vld [tilespmem:s8+$0xFFFFFFE0]  }
0x11f: {  	v6 =	vld [tilespmem:s8+$0x20]  }
0x120: {  	v7 =	vld [tilespmem:s8+$0xFFFFFFD0]  }
0x121: {  	v4 =	vld [tilespmem:s8+$0xFFFFFFF0]  }
0x122: {  	v12 =	vmul.f32 v8, v5;
	v8 =	vld [tilespmem:s8+$0x0]  }
0x123: {  	v10 =	vmul.f32 v9, v5  }
0x124: {  	s9 =	simm.s32 $0x1;
	s10 =	simm.s32 $0x108C0;
	v9 =	vmul.f32 v13, v5;
	v11 =	vmul.f32 v11, v5  }
.LBB2_14:
0x125: {  	p0 =	sne.s32 s9, $0x7F  }
0x126: {  	v7 =	vmul.f32 v7, v5;
	v6 =	vmul.f32 v6, v5;
	[tilespmem:s8+$0x30] =	vst v12;
	s10 =	sadd.s32 $0x80, s10;
	s15 =	smov.u32 s9;
	s9 =	sadd.s32 $0x1, s9  }
0x127: {  	[tilespmem:s8+$0xFFFFFFC0] =	vst v10;
	v10 =	vmul.f32 v4, v5;
	v5 =	vmul.f32 v8, v5  }
0x128: {  	s15 =	sadd.s32 s15, s22;
	[tilespmem:s8+$0x10] =	vst v11  }
0x129: {  	v8 =	vmov s15;
	[tilespmem:s8+$0xFFFFFFE0] =	vst v9  }
0x12a: {  	v4 =	vld [tilespmem:s10+$0xFFFFFFF0];
	[tilespmem:s8+$0xFFFFFFF0] =	vst v10  }
0x12b: {  	v9 =	vld [tilespmem:s10+$0x30];
	[tilespmem:s8+$0x0] =	vst v5  }
0x12c: {  	v11 =	vld [tilespmem:s10+$0x10];
	[tilespmem:s8+$0x20] =	vst v6  }
0x12d: {  	v10 =	vld [tilespmem:s10+$0xFFFFFFC0];
	[tilespmem:s8+$0xFFFFFFD0] =	vst v7;
	s8 =	smov.u32 s10  }
0x12e: {  	v5 =	vld.idx.msk [tilespmem:v8+s28+$0x0], $0xffff  }
0x12f: {  	v13 =	vld [tilespmem:s10+$0xFFFFFFE0]  }
0x130: {  	v6 =	vld [tilespmem:s10+$0x20]  }
.Ltmp10:
0x131: {  	v7 =	vld [tilespmem:s10+$0xFFFFFFD0];
	(pc) =	sbr.rel @p0 .LBB2_14-.Ltmp10, $3  }
0x132: {  	v8 =	vld [tilespmem:s10+$0x0];
	_ =	sdelay $0x1  }
0x133: {  	v10 =	vmul.f32 v10, v5;
	v12 =	vmul.f32 v9, v5  }
0x134: {  	v11 =	vmul.f32 v11, v5;
	v9 =	vmul.f32 v13, v5  }
0x135: {  	[tilespmem:s8+$0x30] =	vst v12  }
0x136: {  	[tilespmem:s8+$0xFFFFFFC0] =	vst v10  }
0x137: {  	v4 =	vmul.f32 v4, v5;
	[tilespmem:s8+$0x10] =	vst v11  }
0x138: {  	v6 =	vmul.f32 v6, v5;
	[tilespmem:s8+$0xFFFFFFE0] =	vst v9  }
0x139: {  	v8 =	vmul.f32 v8, v5;
	[tilespmem:s8+$0xFFFFFFF0] =	vst v4  }
0x13a: {  	s9 =	sshll.u32 s6, $0x8;
	v4 =	vmul.f32 v7, v5;
	[tilespmem:s8+$0x20] =	vst v6  }
0x13b: {  	s9 =	sand.u32 $0x3FFFFF00, s9;
	[tilespmem:s8+$0x0] =	vst v8  }
0x13c: {  	s15 =	sadd.s32 $0x9080, s9;
	[tilespmem:s8+$0xFFFFFFD0] =	vst v4;
	s8 =	sadd.s32 $0x2, s7  }
0x13d: {  	[spmem:s2] =	stream.indirect.scatter.add.f32 [tilespmem:s31], [sflag:$0x3], $0x80, s15, s30, $0xb8;
	[tilespmem:$0x1D900] =	vst v63  }
0x13e: {  	p0 =	sge.u32 s8, s18  }
0x13f: {  	_ =	swait.ge [sflag:s16], $0x4000;
	s8 =	sshll.u32 @!p0 s8, $0x7  }
0x140: {  	s9 =	simm.s32 @!p0 $0x80;
	[sflag:s16] =	ssyncset.done $0x0;
	s8 =	sand.u32 @!p0 $0x3FFFFF80, s8  }
0x141: {  	s10 =	simm.s32 @!p0 $0x10880;
	[sflag:s16] =	ssyncadd.s32 $0xFFFFC000;
	s8 =	sadd.s32 @!p0 $0xB880, s8  }
0x142: {  	[tilespmem:s10], [sflag:$0x1] =	stream.indirect.gather @!p0 [hbm4b:s4+s9], $0x80, s8, s9, $0xb8;
	[tilespmem:$0x1D900] =	vst v63  }
.LBB2_16:
0x143: {  	s8 =	sor.u32 $0x1, s7  }
0x144: {  	p0 =	sge.u32 s8, s18  }
.Ltmp11:
0x145: {  	_ = 	snop;
	(pc) =	sbr.rel @p0 .LBB2_20-.Ltmp11, $1  }
0x146: {  	_ =	sdelay $0x3  }
0x147: {  	_ =	swait.ge [sflag:s1], $0x4000  }
0x148: {  	v4 =	vmov s11;
	[sflag:s1] =	ssyncset.done $0x0  }
0x149: {  	s9 =	simm.s32 $0x0;
	[sflag:s1] =	ssyncadd.s32 $0xFFFFC000  }
0x14a: {  	v12 =	vld [tilespmem:s9+$0x148A0]  }
0x14b: {  	v11 =	vld [tilespmem:s9+$0x14880]  }
0x14c: {  	v7 =	vld [tilespmem:s9+$0x148D0]  }
0x14d: {  	v4 =	vld.idx.msk [tilespmem:v4+s28+$0x0], $0xffff  }
0x14e: {  	v8 =	vld [tilespmem:s9+$0x148B0]  }
0x14f: {  	v6 =	vld [tilespmem:s9+$0x148E0]  }
0x150: {  	v9 =	vld [tilespmem:s9+$0x148C0]  }
0x151: {  	v10 =	vld [tilespmem:s9+$0x148F0]  }
0x152: {  	s10 =	simm.s32 $0x200;
	s15 =	smov.u32 s11;
	v5 =	vld [tilespmem:s9+$0x14890];
	v11 =	vmul.f32 v11, v4;
	v12 =	vmul.f32 v12, v4  }
.LBB2_18:
0x153: {  	p0 =	sne.s32 s10, $0xFE00  }
0x154: {  	v8 =	vmul.f32 v8, v4;
	v7 =	vmul.f32 v7, v4;
	s15 =	sadd.s32 $0x1, s15;
	s12 =	smov.u32 s10;
	s10 =	sadd.s32 $0x200, s10  }
0x155: {  	v6 =	vmul.f32 v6, v4;
	[tilespmem:s9+$0x148A0] =	vst v12;
	v9 =	vmul.f32 v9, v4  }
0x156: {  	[tilespmem:s9+$0x14880] =	vst v11;
	v10 =	vmul.f32 v10, v4  }
0x157: {  	v11 =	vmov s15;
	[tilespmem:s9+$0x148D0] =	vst v7  }
0x158: {  	s12 =	sshra.s32 s12, $0x2;
	[tilespmem:s9+$0x148F0] =	vst v10  }
0x159: {  	v4 =	vmul.f32 v5, v4;
	v12 =	vld [tilespmem:s12+$0x148A0];
	[tilespmem:s9+$0x148B0] =	vst v8  }
0x15a: {  	v13 =	vld [tilespmem:s12+$0x14880];
	[tilespmem:s9+$0x148C0] =	vst v9  }
0x15b: {  	v7 =	vld [tilespmem:s12+$0x148D0];
	[tilespmem:s9+$0x148E0] =	vst v6  }
0x15c: {  	v8 =	vld [tilespmem:s12+$0x148B0];
	[tilespmem:s9+$0x14890] =	vst v4;
	s9 =	smov.u32 s12  }
0x15d: {  	v4 =	vld.idx.msk [tilespmem:v11+s28+$0x0], $0xffff  }
0x15e: {  	v6 =	vld [tilespmem:s9+$0x148E0]  }
.Ltmp12:
0x15f: {  	v5 =	vld [tilespmem:s9+$0x14890];
	(pc) =	sbr.rel @p0 .LBB2_18-.Ltmp12, $3  }
0x160: {  	v9 =	vld [tilespmem:s9+$0x148C0]  }
0x161: {  	v10 =	vld [tilespmem:s9+$0x148F0];
	_ =	sdelay $0x1  }
0x162: {  	v11 =	vmul.f32 v13, v4;
	v12 =	vmul.f32 v12, v4  }
0x163: {  	_ = 	snop  }
0x164: {  	v7 =	vmul.f32 v7, v4;
	[tilespmem:s9+$0x148A0] =	vst v12  }
0x165: {  	v8 =	vmul.f32 v8, v4;
	[tilespmem:s9+$0x14880] =	vst v11  }
0x166: {  	v6 =	vmul.f32 v6, v4;
	[tilespmem:s9+$0x148D0] =	vst v7  }
0x167: {  	v63 =	vmul.f32 v9, v4;
	[tilespmem:s9+$0x148B0] =	vst v8  }
0x168: {  	v10 =	vmul.f32 v10, v4;
	[tilespmem:s9+$0x148E0] =	vst v6  }
0x169: {  	s8 =	sshll.u32 s8, $0x7;
	v4 =	vmul.f32 v5, v4;
	[tilespmem:s9+$0x148C0] =	vst v63  }
0x16a: {  	s7 =	sadd.s32 $0x3, s7;
	s8 =	sand.u32 $0x3FFFFF80, s8;
	[tilespmem:s9+$0x148F0] =	vst v10  }
0x16b: {  	p0 =	sge.u32 s7, s18;
	s8 =	sadd.s32 $0x9080, s8;
	[tilespmem:s9+$0x14890] =	vst v4  }
0x16c: {  	[spmem:s2] =	stream.indirect.scatter.add.f32 [tilespmem:s0], [sflag:$0x3], $0x80, s8, s30, $0xb8;
	[tilespmem:$0x1D900] =	vst v63  }
.Ltmp13:
0x16d: {  	s7 =	sshll.u32 @!p0 s7, $0x7;
	(pc) =	sbr.rel .LBB2_20-.Ltmp13, $4  }
0x16e: {  	s7 =	sand.u32 @!p0 $0x3FFFFF80, s7;
	_ =	swait.ge [sflag:s16], $0x4000  }
0x16f: {  	s7 =	sadd.s32 @!p0 $0xB880, s7;
	[sflag:s16] =	ssyncset.done $0x0  }
0x170: {  	s9 =	simm.s32 @!p0 $0x14880;
	s8 =	simm.s32 @!p0 $0x80;
	[sflag:s16] =	ssyncadd.s32 $0xFFFFC000  }
0x171: {  	[tilespmem:s9], [sflag:$0x2] =	stream.indirect.gather @!p0 [hbm4b:s4+s8], $0x80, s7, s8, $0xb8;
	[tilespmem:$0x1D900] =	vst v63  }
.LBB2_22:
0x172: {  	_ =	sfence.sel $0x180000  }
0x173: {  	[bflag:$0x0] =	sbarrier.arrive $0xFFFF  }
0x174: {  	_ =	strace $0x90000047  }
0x175: {  	s0 =	stileid.u32;
	[bflag:$0x2] =	sbarrier.arrive $0xFFFF  }
0x176: {  	p0 =	sne.s32 s0, $0x0;
	s0 =	rddreg [dreg:$0x3]  }
0x177: {  	s0 =	sadd.s32 @!p0 $0x100000, s0  }
0x178: {  	[sflag:s0] =	ssyncadd.tile.s32 @!p0 $0x1;
	_ =	shalt  }
.Lfunc_end2:
_tile_overlayer_lowered:
.L_overlay_start_2:
0x179: {  	(tag) =	ssettag $0x2  }
0x17a: {  	s0 =	rddreg [dreg:$0x0];
	s2 =	stileid.u32  }
0x17b: {  	s1 =	rddreg [dreg:$0x1];
	p0 =	sne.s32 s2, $0x0  }
0x17c: {  	s3 =	rddreg [dreg:$0x2];
	[bflag:$0x3] =	sbarrier.arrive $0xFFFF;
	s2 =	simm.s32 @!p0 $0x1C03  }
0x17d: {  	[timem:s3], [sflag:s2] =	dma.local @!p0 [hbm:s0], s1  }
0x17e: {  	s0 =	simm.s32 @!p0 $0x3  }
0x17f: {  	_ =	swait.ge @!p0 [sflag:s0], s1  }
0x180: {  	s1 =	ssub.s32 @!p0 $0x0, s1;
	[sflag:s0] =	ssyncset.done @!p0 $0x0  }
0x181: {  	[sflag:s0] =	ssyncadd.s32 @!p0 s1  }
0x182: {  	[bflag:$0x3] =	sbarrier.arrive $0xFFFF  }
0x183: {  	_ =	shalt  }

// kernel: kernel.8.cloned.1.call-start
scs
__scs_entry_jumppad:
0x0: {  	(pc) =	sbr.rel $0x88, $3  }
0x1: {  	(tag) =	ssettag $0x0;
	lr =	simm.s32 $0x1  }
0x2: {  	[smem:$0x3F9D] =	sst lr;
	_ =	strace $0xD0000000  }
0x3: {  	_ = 	snop  }
0x4: {  	_ = 	snop  }
0x5: {  	_ = 	snop  }
0x6: {  	_ = 	snop  }
0x7: {  	_ = 	snop  }
__scs_overlays_trampoline_lowered:
0x8: {  	[smem:$0x3FAC] =	sst s0  }
0x9: {  	[smem:$0x3FAD] =	sst s1  }
0xa: {  	[smem:$0x3FAE] =	sst s2  }
0xb: {  	[smem:$0x3FAF] =	sst s3  }
0xc: {  	[smem:$0x3FB0] =	sst s4  }
0xd: {  	[smem:$0x3FB1] =	sst s5  }
0xe: {  	[smem:$0x3FB2] =	sst s6  }
0xf: {  	[smem:$0x3FB3] =	sst s7  }
0x10: {  	[smem:$0x3FB4] =	sst s8  }
0x11: {  	[smem:$0x3FB5] =	sst s9;
	s0 =	simm.s32 @!p0 $0x0  }
0x12: {  	s1 =	sld [smem:$0x3F9B];
	s0 =	simm.s32 @p0 $0x1  }
0x13: {  	[smem:$0x3FB6] =	sst s0;
	s0 =	simm.s32 @!p1 $0x0  }
0x14: {  	s2 =	sld [smem:$0x3F9A];
	s0 =	simm.s32 @p1 $0x1  }
0x15: {  	[smem:$0x3FB7] =	sst s0;
	s0 =	simm.s32 @!p2 $0x0  }
0x16: {  	s3 =	sld [smem:$0x3FDB];
	s0 =	simm.s32 @p2 $0x1  }
0x17: {  	s4 =	simm.s32 $0x1BF5;
	[smem:$0x3FB9] =	sst s0  }
0x18: {  	s0 =	sld [smem:$0x3F9C];
	_ =	swait.ge [sflag:s4], $0x0  }
0x19: {  	s7 =	sld [smem:$0x3F9D]  }
0x1a: {  	s8 =	sadd.s32 $0xFFFFE003, lr  }
0x1b: {  	s9 =	sadd.s32 $0xFFFFFEF7, lr;
	s5 =	simm.s32 $0xFFFFFFFF;
	p2 =	slt.u32 s8, $0xFFFFF086  }
0x1c: {  	p1 =	slt.u32 s9, $0xF7A;
	s5 =	simm.s32 @!p2 $0x0  }
0x1d: {  	s5 =	simm.s32 @p1 $0x1;
	p0 =	seq.s32 s7, s2  }
0x1e: {  	s7 =	smul.u32 @!p0 $0xF7A, s2;
	p2 =	seq.s32 @!p0 s5, $0x0  }
0x1f: {  	s9 =	smul.u32 $0xF7A, s1;
	s8 =	simm.s32 @!p0 $0x1BF5;
	p2 =	por !p2, p0  }
0x20: {  	[sflag:s8] =	ssyncset.s32 @!p0 $0xFFFFF086;
	s6 =	sadd.s32 @!p0 s3, s7;
	s7 =	simm.s32 @!p0 $0x108  }
0x21: {  	s3 =	sadd.s32 s3, s9;
	s6 =	sadd.s32 @!p0 $0x88, s6;
	s7 =	simm.s32 @p2 $0x1082  }
0x22: {  	[simem:s7], [sflag:s8] =	dma.local @!p0 [hbm:s6], $0xF7A  }
0x23: {  	s9 =	sor.u32 $0xD0000000, s2;
	s6 =	simm.s32 $0x108;
	_ =	swait.ge @!p0 [sflag:s8], $0x0  }
0x24: {  	s3 =	sadd.s32 $0x88, s3;
	s6 =	simm.s32 @!p1 $0x1082;
	[sflag:s4] =	ssyncset.s32 $0xFFFFF086  }
0x25: {  	[simem:s6], [sflag:s4] =	dma.local [hbm:s3], $0xF7A  }
0x26: {  	[smem:$0x3F9D] =	sst s1;
	(tag) =	ssettag s2;
	_ =	strace s9  }
0x27: {  	s1 =	sld [smem:$0x3FAD]  }
0x28: {  	s2 =	sld [smem:$0x3FAE]  }
0x29: {  	s4 =	sld [smem:$0x3FB0]  }
0x2a: {  	p0 =	seq.s32 s5, $0x0;
	s5 =	sld [smem:$0x3FB1]  }
0x2b: {  	s6 =	sld [smem:$0x3FB2]  }
0x2c: {  	s7 =	sld [smem:$0x3FB3]  }
0x2d: {  	s3 =	simm.s32 $0x108;
	s8 =	sld [smem:$0x3FB4]  }
0x2e: {  	s3 =	simm.s32 @!p0 $0x1082;
	s9 =	sld [smem:$0x3FB5]  }
0x2f: {  	lr =	sadd.s32 s0, s3;
	s0 =	sld [smem:$0x3FAC]  }
0x30: {  	s3 =	sld [smem:$0x3FAF]  }
0x31: {  	[smem:$0x3FB8] =	sst s10  }
0x32: {  	s10 =	sld [smem:$0x3FB6];
	_ =	sdelay $0x3  }
0x33: {  	p0 =	seq.s32 s10, $0x1;
	s10 =	sld [smem:$0x3FB8];
	_ =	sdelay $0x3  }
0x34: {  	[smem:$0x3FB8] =	sst s10  }
0x35: {  	s10 =	sld [smem:$0x3FB7];
	_ =	sdelay $0x3  }
0x36: {  	p1 =	seq.s32 s10, $0x1;
	s10 =	sld [smem:$0x3FB8];
	_ =	sdelay $0x3  }
0x37: {  	[smem:$0x3FB8] =	sst s10  }
0x38: {  	s10 =	sld [smem:$0x3FB9]  }
0x39: {  	_ = 	snop;
	(pc) =	sbr.ind lr, $3  }
0x3a: {  	_ = 	snop  }
0x3b: {  	_ = 	snop  }
0x3c: {  	p2 =	seq.s32 s10, $0x1;
	s10 =	sld [smem:$0x3FB8]  }
0x3d: {  	_ =	shalt  }
0x3e: {  	_ =	shalt  }
0x3f: {  	_ =	shalt  }
0x40: {  	_ =	shalt  }
0x41: {  	_ =	shalt  }
0x42: {  	_ =	shalt  }
0x43: {  	_ =	shalt  }
0x44: {  	_ =	shalt  }
0x45: {  	_ =	shalt  }
0x46: {  	_ =	shalt  }
0x47: {  	_ =	shalt  }
0x48: {  	_ =	shalt  }
0x49: {  	_ =	shalt  }
0x4a: {  	_ =	shalt  }
0x4b: {  	_ =	shalt  }
0x4c: {  	_ =	shalt  }
0x4d: {  	_ =	shalt  }
0x4e: {  	_ =	shalt  }
0x4f: {  	_ =	shalt  }
0x50: {  	_ =	shalt  }
0x51: {  	_ =	shalt  }
0x52: {  	_ =	shalt  }
0x53: {  	_ =	shalt  }
0x54: {  	_ =	shalt  }
0x55: {  	_ =	shalt  }
0x56: {  	_ =	shalt  }
0x57: {  	_ =	shalt  }
0x58: {  	_ =	shalt  }
0x59: {  	_ =	shalt  }
0x5a: {  	_ =	shalt  }
0x5b: {  	_ =	shalt  }
0x5c: {  	_ =	shalt  }
0x5d: {  	_ =	shalt  }
0x5e: {  	_ =	shalt  }
0x5f: {  	_ =	shalt  }
0x60: {  	_ =	shalt  }
0x61: {  	_ =	shalt  }
0x62: {  	_ =	shalt  }
0x63: {  	_ =	shalt  }
0x64: {  	_ =	shalt  }
0x65: {  	_ =	shalt  }
0x66: {  	_ =	shalt  }
0x67: {  	_ =	shalt  }
0x68: {  	_ =	shalt  }
0x69: {  	_ =	shalt  }
0x6a: {  	_ =	shalt  }
0x6b: {  	_ =	shalt  }
0x6c: {  	_ =	shalt  }
0x6d: {  	_ =	shalt  }
0x6e: {  	_ =	shalt  }
0x6f: {  	_ =	shalt  }
0x70: {  	_ =	shalt  }
0x71: {  	_ =	shalt  }
0x72: {  	_ =	shalt  }
0x73: {  	_ =	shalt  }
0x74: {  	_ =	shalt  }
0x75: {  	_ =	shalt  }
0x76: {  	_ =	shalt  }
0x77: {  	_ =	shalt  }
0x78: {  	_ =	shalt  }
0x79: {  	_ =	shalt  }
0x7a: {  	_ =	shalt  }
0x7b: {  	_ =	shalt  }
0x7c: {  	_ =	shalt  }
0x7d: {  	_ =	shalt  }
0x7e: {  	_ =	shalt  }
0x7f: {  	_ =	shalt  }
0x80: {  	_ =	shalt  }
0x81: {  	_ =	shalt  }
0x82: {  	_ =	shalt  }
0x83: {  	_ =	shalt  }
0x84: {  	_ =	shalt  }
0x85: {  	_ =	shalt  }
0x86: {  	_ =	shalt  }
0x87: {  	_ =	shalt  }
.Lfunc_end0:
.L_simem_size_0:
called_computation.1_lowered:
.L_overlay_start_0:
0x88: {  	s2 =	sld [smem:$0x3FD9]  }
0x89: {  	s3 =	sld [smem:$0x3FFE];
	_ =	sdelay $0x1  }
0x8a: {  	s1 =	srdreg.scid  }
0x8b: {  	s0 =	sand.u32 $0x1, s1  }
0x8c: {  	s17 =	sshll.u32 s0, $0xA;
	s2 =	sadd.s32 s3, s2  }
0x8d: {  	s2 =	sadd.s32 s2, s17  }
0x8e: {  	[smem:$0x3FC4] =	sst s2  }
0x8f: {  	_ = 	snop  }
0x90: {  	s2 =	sld [smem:$0x3FD0];
	(tm) =	ssettm $0x1  }
0x91: {  	s18 =	sld [smem:$0x3FFB];
	_ =	sdelay $0x3  }
0x92: {  	_ =	strace s18  }
0x93: {  	s3 =	sld [smem:$0x3FFC];
	_ =	sdelay $0x3  }
0x94: {  	_ =	strace s3  }
0x95: {  	s3 =	sld [smem:$0x3FFD];
	_ =	sdelay $0x3  }
0x96: {  	_ =	strace s3  }
0x97: {  	_ =	strace $0x8FFFFFFF  }
0x98: {  	s19 =	sld [smem:$0x3FDB];
	_ =	sdelay $0x1  }
0x99: {  	s4 =	simm.s32 $_scs_section_size  }
0x9a: {  	s5 =	simm.s32 $_size__tile_overlayer_lowered;
	s6 =	simm.s32 $_tile_overlayer_lowered  }
0x9b: {  	s22 =	simm.s32 $0x1BFF;
	s21 =	sshll.u32 s6, $0x1;
	s3 =	sadd.s32 s4, s19  }
0x9c: {  	s7 =	simm.s32 $0x0;
	s20 =	sshll.u32 s5, $0x1;
	s5 =	sadd.s32 s21, s3  }
0x9d: {  	[timem:s7], [sflag:s22] =	dma.local [hbm:s5], s20  }
0x9e: {  	_ =	swait.ge [sflag:s22], s20  }
0x9f: {  	s4 =	ssub.s32 $0x0, s20;
	[sflag:s22] =	ssyncset.done $0x0  }
0xa0: {  	[sflag:s22] =	ssyncadd.s32 s4;
	_ =	sdelay $0x1  }
0xa1: {  	s23 =	simm.s32 $0x1B8B  }
0xa2: {  	_ =	swait.ge [sflag:s23], $0x1  }
0xa3: {  	[sflag:s23] =	ssyncset.done $0x0  }
0xa4: {  	s25 =	simm.s32 $0x1B8E;
	s24 =	sld [smem:$0x3FFE];
	[sflag:s23] =	ssyncadd.s32 $0xFFFFFFFF  }
0xa5: {  	s26 =	simm.s32 $execute0_lowered;
	[smem:$0x3FD2] =	sst s25  }
0xa6: {  	s5 =	sshll.u32 s26, $0x1;
	_ =	strace $0x80000049;
	[dreg:$0x1] =	wrdreg $0xFFFFFFFF  }
0xa7: {  	s28 =	simm.s32 $_size_execute0_lowered;
	s3 =	sadd.s32 s3, s5;
	[dreg:$0x0] =	wrdreg $0x0  }
0xa8: {  	s5 =	sshll.u32 s28, $0x1;
	[dreg:$0x2] =	wrdreg s3  }
0xa9: {  	[dreg:$0x3] =	wrdreg s5  }
0xaa: {  	[dreg:$0x4] =	wrdreg $0xC0  }
0xab: {  	_ =	task [dreg:s7], $0x5FFFF  }
0xac: {  	[dreg:$0x1] =	wrdreg $0xFFFFFFFF  }
0xad: {  	[dreg:$0x0] =	wrdreg $0x60  }
0xae: {  	[dreg:$0x2] =	wrdreg s24  }
0xaf: {  	[dreg:$0x3] =	wrdreg s2  }
0xb0: {  	[dreg:$0x4] =	wrdreg $0x9  }
0xb1: {  	_ =	task.clear_ibuf [dreg:s7], $0x5FFFF;
	_ =	strace $0x90000049  }
0xb2: {  	s29 =	simm.s32 $0x9;
	_ =	strace $0x8000004B  }
0xb3: {  	_ =	swait.ge [sflag:s29], $0x1  }
0xb4: {  	[sflag:s29] =	ssyncadd.s32 $0xFFFFFFFF  }
0xb5: {  	_ =	strace $0x9000004B  }
0xb6: {  	_ =	sfence  }
0xb7: {  	s30 =	sld [smem:$0x0];
	_ =	sdelay $0x2  }
0xb8: {  	s31 =	sshll.u32 s1, $0xD;
	s1 =	sshrl.u32 s1, $0x2  }
0xb9: {  	s3 =	sand.u32 $0x4000, s31;
	s1 =	sadd.s32 s1, s30  }
0xba: {  	s0 =	sor.u32 s3, s0;
	s1 =	sshll.u32 s1, $0x11  }
0xbb: {  	s0 =	sor.u32 s1, s0  }
0xbc: {  	s0 =	sadd.s32 $0x8F2B, s0  }
0xbd: {  	[sflag:s0] =	ssyncadd.remote.s32 $0x1  }
0xbe: {  	_ =	sfence.sel $0xFFFF  }
0xbf: {  	[dreg:$0x0] =	wrdreg $0xFFFFFFFF;
	(pc) =	sbr.abs _section_cstart, $3  }
0xc0: {  	[dreg:$0x1] =	wrdreg $0xFFFFFFFF  }
0xc1: {  	_ =	task.clear_ibuf [dreg:s7], $0x2FFFF;
	_ =	strace $0x9FFFFFFF  }
0xc2: {  	(tm) =	ssettm $0x7FFFFFFF  }
0xc3: {  	_ =	shalt  }
tec
execute0_lowered:
.L_overlay_start_1:
0x0: {  	(tag) =	ssettag $0x1  }
0x1: {  	s6 =	rddreg [dreg:$0x0]  }
0x2: {  	s2 =	rddreg [dreg:$0x1]  }
0x3: {  	s0 =	rddreg [dreg:$0x2]  }
0x4: {  	s4 =	srdreg.scid;
	s1 =	stileid.u32;
	s3 =	simm.s32 $0x0  }
0x5: {  	s13 =	simm.s32 $0x80;
	s14 =	simm.s32 $0x2880;
	s15 =	simm.s32 $0x5080  }
0x6: {  	s16 =	simm.s32 $0x1A080;
	s5 =	sand.u32 $0x1, s4;
	s30 =	sshll.u32 s1, $0x1  }
0x7: {  	s17 =	simm.s32 $0x1AB00;
	s18 =	simm.s32 $0x0;
	s7 =	sor.u32 s5, s30  }
0x8: {  	[smem:$0x7FF] =	sst s3;
	s4 =	sadd.s32 $0x3EA00, s6;
	s8 =	smul.u32 $0xA, s7  }
0x9: {  	_ =	strace $0x8000004A;
	s9 =	ssub.s32 $0x2, s5;
	s7 =	smul.u32 $0x500, s7  }
0xa: {  	s5 =	sadd.s32 $0x48A00, s6;
	s31 =	sshrl.u32 s9, $0x1;
	s10 =	sadd.s32 s8, s6  }
0xb: {  	s12 =	ssub.s32 s9, s31;
	s11 =	sadd.s32 s7, s6;
	s6 =	sadd.s32 $0x52A00, s10  }
0xc: {  	s7 =	sadd.s32 $0x1E00, s11;
	s8 =	sadd.s32 $0xBE00, s11;
	s9 =	sadd.s32 $0x1C00, s10  }
0xd: {  	s10 =	smax.u32 s12, $0x1;
	s11 =	simm.s32 $0x1;
	s12 =	simm.s32 $0x50  }
.LBB2_1:
0xe: {  	[tilespmem:s3], [sflag:$0x1] =	stream.linear.gather [hbm4b:s6+s3], $0x50, $0x38;
	[tilespmem:$0x1AB80] =	vst v63  }
0xf: {  	_ =	swait.ge [sflag:s11], $0x50  }
0x10: {  	[sflag:s11] =	ssyncset.done $0x0  }
0x11: {  	[sflag:s11] =	ssyncadd.s32 $0xFFFFFFB0  }
0x12: {  	[tilespmem:s13], [sflag:$0x1] =	stream.indirect.gather [hbm4b:s4+s12], $0x80, s3, s12, $0xb8;
	[tilespmem:$0x1AB80] =	vst v63  }
0x13: {  	_ =	swait.ge [sflag:s11], $0x2800  }
0x14: {  	[sflag:s11] =	ssyncset.done $0x0  }
0x15: {  	[sflag:s11] =	ssyncadd.s32 $0xFFFFD800  }
0x16: {  	[tilespmem:s14], [sflag:$0x1] =	stream.indirect.gather [hbm4b:s5+s12], $0x80, s3, s12, $0xb8;
	[tilespmem:$0x1AB80] =	vst v63  }
0x17: {  	_ =	swait.ge [sflag:s11], $0x2800  }
0x18: {  	[sflag:s11] =	ssyncset.done $0x0  }
0x19: {  	[sflag:s11] =	ssyncadd.s32 $0xFFFFD800  }
0x1a: {  	[tilespmem:s15], [sflag:$0x1] =	stream.linear.gather [hbm4b:s2+s3], $0x15000, $0x38;
	[tilespmem:$0x1AB80] =	vst v63  }
0x1b: {  	_ =	swait.ge [sflag:s11], $0x15000  }
0x1c: {  	s19 =	sand.u32 $0x70, s3;
	s20 =	sand.u32 $0x7C00, s3;
	[sflag:s11] =	ssyncset.done $0x0  }
0x1d: {  	s19 =	sor.u32 s19, s20;
	[sflag:s11] =	ssyncadd.s32 $0xFFFEB000  }
0x1e: {  	v0 =	vld [tilespmem:s19+$0x5100]  }
0x1f: {  	v1 =	vld [tilespmem:s19+$0x5080];
	_ =	sdelay $0x1  }
0x20: {  	v2 =	vld [tilespmem:s19+$0x5180];
	_ =	sdelay $0x1  }
0x21: {  	v3 =	vld [tilespmem:s19+$0x5200]  }
0x22: {  	v0 =	vadd.f32 v0, v1  }
0x23: {  	v36 =	vld [tilespmem:s19+$0x5280]  }
0x24: {  	v0 =	vadd.f32 v2, v0  }
0x25: {  	v37 =	vld [tilespmem:s19+$0x5300]  }
0x26: {  	v0 =	vadd.f32 v3, v0  }
0x27: {  	v38 =	vld [tilespmem:s19+$0x5380]  }
0x28: {  	v0 =	vadd.f32 v36, v0  }
0x29: {  	v39 =	vld [tilespmem:s19+$0x5400]  }
0x2a: {  	v0 =	vadd.f32 v37, v0  }
0x2b: {  	v40 =	vld [tilespmem:s19+$0xA480]  }
0x2c: {  	v0 =	vadd.f32 v38, v0  }
0x2d: {  	v41 =	vld [tilespmem:s19+$0xA500]  }
0x2e: {  	v0 =	vadd.f32 v39, v0  }
0x2f: {  	v42 =	vld [tilespmem:s19+$0xA580]  }
0x30: {  	v0 =	vadd.f32 v40, v0  }
0x31: {  	v43 =	vld [tilespmem:s19+$0xA600]  }
0x32: {  	v0 =	vadd.f32 v41, v0  }
0x33: {  	v44 =	vld [tilespmem:s19+$0xA680]  }
0x34: {  	v0 =	vadd.f32 v42, v0  }
0x35: {  	v45 =	vld [tilespmem:s19+$0xA700]  }
0x36: {  	v0 =	vadd.f32 v43, v0  }
0x37: {  	v46 =	vld [tilespmem:s19+$0xA780]  }
0x38: {  	v0 =	vadd.f32 v44, v0  }
0x39: {  	v47 =	vld [tilespmem:s19+$0xA800]  }
0x3a: {  	v0 =	vadd.f32 v45, v0  }
0x3b: {  	v48 =	vld [tilespmem:s19+$0xF880]  }
0x3c: {  	v0 =	vadd.f32 v46, v0  }
0x3d: {  	v49 =	vld [tilespmem:s19+$0xF900]  }
0x3e: {  	v0 =	vadd.f32 v47, v0  }
0x3f: {  	v50 =	vld [tilespmem:s19+$0xF980]  }
0x40: {  	v0 =	vadd.f32 v48, v0  }
0x41: {  	v51 =	vld [tilespmem:s19+$0xFA00]  }
0x42: {  	v0 =	vadd.f32 v49, v0  }
0x43: {  	v52 =	vld [tilespmem:s19+$0xFA80]  }
0x44: {  	v0 =	vadd.f32 v50, v0  }
0x45: {  	v53 =	vld [tilespmem:s19+$0xFB00]  }
0x46: {  	v0 =	vadd.f32 v51, v0  }
0x47: {  	v54 =	vld [tilespmem:s19+$0xFB80]  }
0x48: {  	v0 =	vadd.f32 v52, v0  }
0x49: {  	v55 =	vld [tilespmem:s19+$0xFC00]  }
0x4a: {  	v0 =	vadd.f32 v53, v0  }
0x4b: {  	v56 =	vld [tilespmem:s19+$0x14C80]  }
0x4c: {  	v0 =	vadd.f32 v54, v0  }
0x4d: {  	v57 =	vld [tilespmem:s19+$0x14D00]  }
0x4e: {  	v0 =	vadd.f32 v55, v0  }
0x4f: {  	v58 =	vld [tilespmem:s19+$0x14D80]  }
0x50: {  	v0 =	vadd.f32 v56, v0  }
0x51: {  	v59 =	vld [tilespmem:s19+$0x14E00]  }
0x52: {  	v0 =	vadd.f32 v57, v0  }
0x53: {  	v60 =	vld [tilespmem:s19+$0x14E80]  }
0x54: {  	v0 =	vadd.f32 v58, v0  }
0x55: {  	v61 =	vld [tilespmem:s19+$0x14F00]  }
0x56: {  	v0 =	vadd.f32 v59, v0  }
0x57: {  	v62 =	vld [tilespmem:s19+$0x14F80]  }
0x58: {  	v0 =	vadd.f32 v60, v0  }
0x59: {  	v63 =	vld [tilespmem:s19+$0x15000]  }
0x5a: {  	v0 =	vadd.f32 v61, v0;
	_ =	sdelay $0x1  }
0x5b: {  	v0 =	vadd.f32 v62, v0;
	_ =	sdelay $0x1  }
0x5c: {  	s30 =	simm.s32 $0x10;
	s21 =	simm.s32 $0x80;
	v0 =	vadd.f32 v63, v0  }
0x5d: {  	s31 =	sand.u32 $0x7C00, s21;
	s19 =	sand.u32 $0x70, s30  }
0x5e: {  	s22 =	simm.s32 $0x20;
	s20 =	sor.u32 s19, s31;
	s19 =	simm.s32 $0x1A080;
	[tilespmem:s16+$0x0] =	vst v0  }
.LBB2_2:
0x5f: {  	p0 =	sne.s32 s22, $0xA70;
	v0 =	vld [tilespmem:s20+$0x5100]  }
0x60: {  	v1 =	vld [tilespmem:s20+$0x5080];
	_ =	sdelay $0x1  }
0x61: {  	v2 =	vld [tilespmem:s20+$0x5180];
	_ =	sdelay $0x1  }
0x62: {  	v3 =	vld [tilespmem:s20+$0x5200]  }
0x63: {  	v0 =	vadd.f32 v0, v1  }
0x64: {  	v1 =	vld [tilespmem:s20+$0x5280]  }
0x65: {  	v0 =	vadd.f32 v2, v0  }
0x66: {  	v2 =	vld [tilespmem:s20+$0x5300]  }
0x67: {  	v0 =	vadd.f32 v3, v0  }
0x68: {  	v3 =	vld [tilespmem:s20+$0x5380]  }
0x69: {  	v0 =	vadd.f32 v1, v0  }
0x6a: {  	v1 =	vld [tilespmem:s20+$0x5400]  }
0x6b: {  	v0 =	vadd.f32 v2, v0  }
0x6c: {  	v2 =	vld [tilespmem:s20+$0xA480]  }
0x6d: {  	v0 =	vadd.f32 v3, v0  }
0x6e: {  	v3 =	vld [tilespmem:s20+$0xA500]  }
0x6f: {  	v0 =	vadd.f32 v1, v0  }
0x70: {  	v1 =	vld [tilespmem:s20+$0xA580]  }
0x71: {  	v0 =	vadd.f32 v2, v0  }
0x72: {  	v2 =	vld [tilespmem:s20+$0xA600]  }
0x73: {  	v0 =	vadd.f32 v3, v0  }
0x74: {  	v3 =	vld [tilespmem:s20+$0xA680]  }
0x75: {  	v0 =	vadd.f32 v1, v0  }
0x76: {  	v1 =	vld [tilespmem:s20+$0xA700]  }
0x77: {  	v0 =	vadd.f32 v2, v0  }
0x78: {  	v2 =	vld [tilespmem:s20+$0xA780]  }
0x79: {  	v0 =	vadd.f32 v3, v0  }
0x7a: {  	v3 =	vld [tilespmem:s20+$0xA800]  }
0x7b: {  	v0 =	vadd.f32 v1, v0  }
0x7c: {  	v1 =	vld [tilespmem:s20+$0xF880]  }
0x7d: {  	v0 =	vadd.f32 v2, v0  }
0x7e: {  	v2 =	vld [tilespmem:s20+$0xF900]  }
0x7f: {  	v0 =	vadd.f32 v3, v0  }
0x80: {  	v3 =	vld [tilespmem:s20+$0xF980]  }
0x81: {  	v0 =	vadd.f32 v1, v0  }
0x82: {  	v1 =	vld [tilespmem:s20+$0xFA00]  }
0x83: {  	v0 =	vadd.f32 v2, v0  }
0x84: {  	v2 =	vld [tilespmem:s20+$0xFA80]  }
0x85: {  	v0 =	vadd.f32 v3, v0  }
0x86: {  	v3 =	vld [tilespmem:s20+$0xFB00]  }
0x87: {  	v0 =	vadd.f32 v1, v0  }
0x88: {  	v1 =	vld [tilespmem:s20+$0xFB80]  }
0x89: {  	v0 =	vadd.f32 v2, v0  }
0x8a: {  	v2 =	vld [tilespmem:s20+$0xFC00]  }
0x8b: {  	v0 =	vadd.f32 v3, v0  }
0x8c: {  	v3 =	vld [tilespmem:s20+$0x14C80]  }
0x8d: {  	v0 =	vadd.f32 v1, v0  }
0x8e: {  	v1 =	vld [tilespmem:s20+$0x14D00]  }
0x8f: {  	v0 =	vadd.f32 v2, v0  }
0x90: {  	v2 =	vld [tilespmem:s20+$0x14D80]  }
0x91: {  	v0 =	vadd.f32 v3, v0  }
0x92: {  	v3 =	vld [tilespmem:s20+$0x14E00]  }
0x93: {  	v0 =	vadd.f32 v1, v0  }
0x94: {  	v1 =	vld [tilespmem:s20+$0x14E80]  }
0x95: {  	v0 =	vadd.f32 v2, v0  }
0x96: {  	v2 =	vld [tilespmem:s20+$0x14F00]  }
0x97: {  	v0 =	vadd.f32 v3, v0  }
0x98: {  	v3 =	vld [tilespmem:s20+$0x14F80]  }
0x99: {  	v0 =	vadd.f32 v1, v0  }
0x9a: {  	v1 =	vld [tilespmem:s20+$0x15000]  }
0x9b: {  	v0 =	vadd.f32 v2, v0;
	_ =	sdelay $0x1  }
.Ltmp0:
0x9c: {  	v0 =	vadd.f32 v3, v0;
	(pc) =	sbr.rel @p0 .LBB2_2-.Ltmp0, $4  }
0x9d: {  	_ = 	snop  }
0x9e: {  	s21 =	sadd.s32 $0x80, s21;
	v0 =	vadd.f32 v1, v0  }
0x9f: {  	s19 =	sadd.s32 $0x10, s19;
	s23 =	sand.u32 $0x7C00, s21;
	s20 =	sand.u32 $0x70, s22  }
0xa0: {  	s22 =	sadd.s32 $0x10, s22;
	s20 =	sor.u32 s20, s23;
	[tilespmem:s19+$0x0] =	vst v0  }
0xa1: {  	v0 =	vld [tilespmem:s20+$0x5100]  }
0xa2: {  	v1 =	vld [tilespmem:s20+$0x5080];
	_ =	sdelay $0x1  }
0xa3: {  	v2 =	vld [tilespmem:s20+$0x5180];
	_ =	sdelay $0x1  }
0xa4: {  	v3 =	vld [tilespmem:s20+$0x5200]  }
0xa5: {  	v0 =	vadd.f32 v0, v1  }
0xa6: {  	v32 =	vld [tilespmem:s20+$0x5280]  }
0xa7: {  	v0 =	vadd.f32 v2, v0  }
0xa8: {  	v33 =	vld [tilespmem:s20+$0x5300]  }
0xa9: {  	v0 =	vadd.f32 v3, v0  }
0xaa: {  	v34 =	vld [tilespmem:s20+$0x5380]  }
0xab: {  	v0 =	vadd.f32 v32, v0  }
0xac: {  	v35 =	vld [tilespmem:s20+$0x5400]  }
0xad: {  	v0 =	vadd.f32 v33, v0  }
0xae: {  	v36 =	vld [tilespmem:s20+$0xA480]  }
0xaf: {  	v0 =	vadd.f32 v34, v0  }
0xb0: {  	v37 =	vld [tilespmem:s20+$0xA500]  }
0xb1: {  	v0 =	vadd.f32 v35, v0  }
0xb2: {  	v38 =	vld [tilespmem:s20+$0xA580]  }
0xb3: {  	v0 =	vadd.f32 v36, v0  }
0xb4: {  	v39 =	vld [tilespmem:s20+$0xA600]  }
0xb5: {  	v0 =	vadd.f32 v37, v0  }
0xb6: {  	v40 =	vld [tilespmem:s20+$0xA680]  }
0xb7: {  	v0 =	vadd.f32 v38, v0  }
0xb8: {  	v41 =	vld [tilespmem:s20+$0xA700]  }
0xb9: {  	v0 =	vadd.f32 v39, v0  }
0xba: {  	v42 =	vld [tilespmem:s20+$0xA780]  }
0xbb: {  	v0 =	vadd.f32 v40, v0  }
0xbc: {  	v43 =	vld [tilespmem:s20+$0xA800]  }
0xbd: {  	v0 =	vadd.f32 v41, v0  }
0xbe: {  	v44 =	vld [tilespmem:s20+$0xF880]  }
0xbf: {  	v0 =	vadd.f32 v42, v0  }
0xc0: {  	v45 =	vld [tilespmem:s20+$0xF900]  }
0xc1: {  	v0 =	vadd.f32 v43, v0  }
0xc2: {  	v46 =	vld [tilespmem:s20+$0xF980]  }
0xc3: {  	v0 =	vadd.f32 v44, v0  }
0xc4: {  	v47 =	vld [tilespmem:s20+$0xFA00]  }
0xc5: {  	v0 =	vadd.f32 v45, v0  }
0xc6: {  	v48 =	vld [tilespmem:s20+$0xFA80]  }
0xc7: {  	v0 =	vadd.f32 v46, v0  }
0xc8: {  	v49 =	vld [tilespmem:s20+$0xFB00]  }
0xc9: {  	v0 =	vadd.f32 v47, v0  }
0xca: {  	v50 =	vld [tilespmem:s20+$0xFB80]  }
0xcb: {  	v0 =	vadd.f32 v48, v0  }
0xcc: {  	v51 =	vld [tilespmem:s20+$0xFC00]  }
0xcd: {  	v0 =	vadd.f32 v49, v0  }
0xce: {  	v52 =	vld [tilespmem:s20+$0x14C80]  }
0xcf: {  	v0 =	vadd.f32 v50, v0  }
0xd0: {  	v53 =	vld [tilespmem:s20+$0x14D00]  }
0xd1: {  	v0 =	vadd.f32 v51, v0  }
0xd2: {  	v54 =	vld [tilespmem:s20+$0x14D80]  }
0xd3: {  	v0 =	vadd.f32 v52, v0  }
0xd4: {  	v55 =	vld [tilespmem:s20+$0x14E00]  }
0xd5: {  	v0 =	vadd.f32 v53, v0  }
0xd6: {  	v56 =	vld [tilespmem:s20+$0x14E80]  }
0xd7: {  	v0 =	vadd.f32 v54, v0  }
0xd8: {  	v57 =	vld [tilespmem:s20+$0x14F00]  }
0xd9: {  	v0 =	vadd.f32 v55, v0  }
0xda: {  	v58 =	vld [tilespmem:s20+$0x14F80]  }
0xdb: {  	v0 =	vadd.f32 v56, v0  }
0xdc: {  	v59 =	vld [tilespmem:s20+$0x15000]  }
0xdd: {  	v0 =	vadd.f32 v57, v0;
	_ =	sdelay $0x1  }
0xde: {  	v0 =	vadd.f32 v58, v0;
	_ =	sdelay $0x1  }
0xdf: {  	v0 =	vadd.f32 v59, v0  }
0xe0: {  	s19 =	sadd.s32 $0x10, s19  }
0xe1: {  	[tilespmem:s19+$0x0] =	vst v0  }
0xe2: {  	v0 =	vld [tilespmem:$0x0];
	_ =	sdelay $0x5  }
0xe3: {  	v60 =	vld [tilespmem:$0x10];
	_ =	sdelay $0x1  }
0xe4: {  	v0 =	vld.idx.msk [tilespmem:v0+s16+$0x0], $0xffff;
	_ =	sdelay $0x3  }
0xe5: {  	v61 =	vld [tilespmem:$0x20]  }
0xe6: {  	[tilespmem:$0x1AB00] =	vst v0  }
0xe7: {  	v0 =	vld.idx.msk [tilespmem:v60+s16+$0x0], $0xffff;
	_ =	sdelay $0x3  }
0xe8: {  	v62 =	vld [tilespmem:$0x30]  }
0xe9: {  	[tilespmem:$0x1AB10] =	vst v0  }
0xea: {  	v0 =	vld.idx.msk [tilespmem:v61+s16+$0x0], $0xffff;
	_ =	sdelay $0x3  }
0xeb: {  	v63 =	vld [tilespmem:$0x40]  }
0xec: {  	[tilespmem:$0x1AB20] =	vst v0  }
0xed: {  	v0 =	vld.idx.msk [tilespmem:v62+s16+$0x0], $0xffff;
	_ =	sdelay $0x4  }
0xee: {  	[tilespmem:$0x1AB30] =	vst v0  }
0xef: {  	v0 =	vld.idx.msk [tilespmem:v63+s16+$0x0], $0xffff;
	_ =	sdelay $0x4  }
0xf0: {  	[tilespmem:$0x1AB40] =	vst v0  }
0xf1: {  	[hbm4b:s7+s3] =	stream.linear.scatter [tilespmem:s13], [sflag:$0x1], $0x2800, $0x38;
	[tilespmem:$0x1AB80] =	vst v63  }
0xf2: {  	_ =	swait.ge [sflag:s11], $0x2800  }
0xf3: {  	[sflag:s11] =	ssyncset.done $0x0  }
0xf4: {  	[sflag:s11] =	ssyncadd.s32 $0xFFFFD800  }
0xf5: {  	[hbm4b:s8+s3] =	stream.linear.scatter [tilespmem:s14], [sflag:$0x1], $0x2800, $0x38;
	[tilespmem:$0x1AB80] =	vst v63  }
0xf6: {  	s18 =	sadd.s32 $0x1, s18;
	_ =	swait.ge [sflag:s11], $0x2800  }
0xf7: {  	p0 =	sne.s32 s18, s10;
	[sflag:s11] =	ssyncset.done $0x0  }
.Ltmp1:
0xf8: {  	[sflag:s11] =	ssyncadd.s32 $0xFFFFD800;
	(pc) =	sbr.rel @p0 .LBB2_1-.Ltmp1, $4  }
0xf9: {  	[hbm4b:s9+s3] =	stream.linear.scatter [tilespmem:s17], [sflag:$0x1], $0x50, $0x38;
	[tilespmem:$0x1AB80] =	vst v63  }
0xfa: {  	_ =	swait.ge [sflag:s11], $0x50  }
0xfb: {  	[sflag:s11] =	ssyncset.done $0x0  }
0xfc: {  	[sflag:s11] =	ssyncadd.s32 $0xFFFFFFB0  }
0xfd: {  	_ =	sfence.sel $0x180000  }
0xfe: {  	[bflag:$0x0] =	sbarrier.arrive $0xFFFF  }
0xff: {  	p0 =	sne.s32 s1, $0x0;
	_ =	strace $0x9000004A  }
0x100: {  	s0 =	sadd.s32 @!p0 $0x100000, s0;
	[bflag:$0x2] =	sbarrier.arrive $0xFFFF  }
0x101: {  	[sflag:s0] =	ssyncadd.tile.s32 @!p0 $0x1;
	_ =	shalt  }
.Lfunc_end2:
_tile_overlayer_lowered:
.L_overlay_start_2:
0x102: {  	(tag) =	ssettag $0x2  }
0x103: {  	s0 =	rddreg [dreg:$0x0];
	s2 =	stileid.u32  }
0x104: {  	s1 =	rddreg [dreg:$0x1];
	p0 =	sne.s32 s2, $0x0  }
0x105: {  	s3 =	rddreg [dreg:$0x2];
	[bflag:$0x3] =	sbarrier.arrive $0xFFFF;
	s2 =	simm.s32 @!p0 $0x1C01  }
0x106: {  	[timem:s3], [sflag:s2] =	dma.local @!p0 [hbm:s0], s1  }
0x107: {  	s0 =	simm.s32 @!p0 $0x1  }
0x108: {  	_ =	swait.ge @!p0 [sflag:s0], s1  }
0x109: {  	s1 =	ssub.s32 @!p0 $0x0, s1;
	[sflag:s0] =	ssyncset.done @!p0 $0x0  }
0x10a: {  	[sflag:s0] =	ssyncadd.s32 @!p0 s1  }
0x10b: {  	[bflag:$0x3] =	sbarrier.arrive $0xFFFF  }
0x10c: {  	_ =	shalt  }

</sc_bundles>
